<compile_context>
chip_gen: v7x
topology: tpu7x:2x2x1
jax: 0.10.2.dev20260603
libtpu: 0.0.44.dev20260713+nightly
codegen_flags: <defaults>
</compile_context>

<pallas_src>
import functools

import jax
import jax.numpy as jnp
from jax import lax
from jax.experimental import pallas as pl
from jax.experimental.pallas import tpu as pltpu
from jax.experimental.pallas import tpu_sc as plsc

_Q = 65536
_B = 1024
_D = 128

_NC = 2
_NS = 16
_NW = _NC * _NS
_RPW = _Q // _NW
_SCH = 256
_SNCH = _RPW // _SCH

_MESH = plsc.VectorSubcoreMesh(core_axis_name="c", subcore_axis_name="s")


@functools.partial(
    pl.kernel,
    out_type=jax.ShapeDtypeStruct((_Q, _D), jnp.float32),
    mesh=_MESH,
    scratch_types=(
        pltpu.VMEM((_SCH, _D), jnp.float32),
        pltpu.VMEM((_SCH, _D), jnp.float32),
        pltpu.SemaphoreType.DMA,
    ),
)
def _sc_copy(keys_hbm, old_hbm, buf0, buf1, isem):
    wid = lax.axis_index("s") * _NC + lax.axis_index("c")
    base = wid * _RPW
    bufs = (buf0, buf1)
    fetch = pltpu.async_copy(keys_hbm.at[pl.ds(base, _SCH)], buf0, isem)
    for ci in range(_SNCH):
        b = base + ci * _SCH
        fetch.wait()
        if ci + 1 < _SNCH:
            fetch = pltpu.async_copy(
                keys_hbm.at[pl.ds(b + _SCH, _SCH)], bufs[(ci + 1) % 2], isem)
        pltpu.sync_copy(bufs[ci % 2], old_hbm.at[pl.ds(b, _SCH)])


_SRC = _Q - _B
_CH = 4096
_K = 4
_A = 2
_CHUNKS = []
_r = 0
while _r < _SRC:
    _CHUNKS.append((_r, min(_CH, _SRC - _r)))
    _r += _CH
_NCH = len(_CHUNKS)


def _tc_body(new_ref, keys_ref, upd_ref, hbuf, hsem, *rest):
    bufs, gsems, ssems = rest[:_K], rest[_K:2 * _K], rest[2 * _K:]

    pltpu.make_async_copy(new_ref, hbuf, hsem).start()

    def gather(ci):
        lo, rows = _CHUNKS[ci]
        return pltpu.make_async_copy(
            keys_ref.at[pl.ds(lo, rows)],
            bufs[ci % _K].at[pl.ds(0, rows)], gsems[ci % _K])

    def scatter(ci):
        lo, rows = _CHUNKS[ci]
        return pltpu.make_async_copy(
            bufs[ci % _K].at[pl.ds(0, rows)],
            upd_ref.at[pl.ds(lo + _B, rows)], ssems[ci % _K])

    gathers = {}
    pending = {}
    for ci in range(min(_A, _NCH)):
        gathers[ci] = gather(ci)
        gathers[ci].start()

    hdone = False
    for ci in range(_NCH):
        nf = ci + _A
        if nf < _NCH:
            if nf - _K >= 0:
                pending.pop(nf - _K).wait()
            gathers[nf] = gather(nf)
            gathers[nf].start()
        gathers.pop(ci).wait()
        w = scatter(ci)
        w.start()
        pending[ci] = w
        if not hdone:
            pltpu.make_async_copy(new_ref, hbuf, hsem).wait()
            pltpu.make_async_copy(hbuf, upd_ref.at[pl.ds(0, _B)], hsem).start()
            hdone = True

    pltpu.make_async_copy(hbuf, upd_ref.at[pl.ds(0, _B)], hsem).wait()
    for ci in sorted(pending):
        pending[ci].wait()


def _tc_shift(new_keys, keys):
    return pl.pallas_call(
        _tc_body,
        in_specs=[
            pl.BlockSpec(memory_space=pl.ANY),
            pl.BlockSpec(memory_space=pl.ANY),
        ],
        out_specs=pl.BlockSpec(memory_space=pl.ANY),
        out_shape=jax.ShapeDtypeStruct((_Q, _D), jnp.float32),
        scratch_shapes=(
            [pltpu.VMEM((_B, _D), jnp.float32), pltpu.SemaphoreType.DMA]
            + [pltpu.VMEM((_CH, _D), jnp.float32) for _ in range(_K)]
            + [pltpu.SemaphoreType.DMA for _ in range(2 * _K)]
        ),
    )(new_keys, keys)


def kernel(new_keys, keys):
    old = _sc_copy(keys)
    upd = _tc_shift(new_keys, keys)
    return (old, upd)

# --- scband reference (transcript-rebuilt; emitter-appended) ---
"""Pipeline reference for scband-mo-co-queue-31396210934059 (READ-ONLY COPY).

The authoritative reference and input builder live on the scoring server;
editing this copy changes nothing except your own understanding.
"""

import jax, jax.numpy as jnp
import numpy as np

MAX_QUEUE_LENGTH = 65536
BATCH_SIZE = 1024
EMBED_DIM = 128


def setup_inputs(seed: int = 0) -> dict:
    key = jax.random.key(seed)
    k1, k2 = jax.random.split(key)
    # forward input: new projection keys for this iteration
    new_keys = jax.random.normal(k1, (BATCH_SIZE, EMBED_DIM), dtype=jnp.float32)
    # non-trainable state: the queue variable (self.keys), initialized like
    # tf.random_normal_initializer (stddev=0.05)
    keys = jax.random.normal(k2, (MAX_QUEUE_LENGTH, EMBED_DIM), dtype=jnp.float32) * 0.05
    return {"new_keys": new_keys, "keys": keys}


def reference(new_keys, keys):
    # Faithful translation of MoCoQueue.call:
    #   keys_old = self.keys                      (returned value)
    #   cat = tf.concat([new_keys, self.keys], 0)
    #   self.keys.assign(tf.slice(cat, [0,0], [L, D]))   (state update)
    # In functional JAX we return both the layer output (old queue) and the
    # updated queue state produced by the assign.
    old_keys = keys
    cat = jnp.concatenate([new_keys, keys], axis=0)
    updated_keys = jax.lax.slice(cat, (0, 0), (MAX_QUEUE_LENGTH, EMBED_DIM))
    return (old_keys, updated_keys)

if __name__ == "__main__":
    import jax
    _d = setup_inputs()
    print(jax.jit(kernel)(*tuple(_d.values())))

</pallas_src>

<mosaic_0001>
#map = affine_map<(d0, d1) -> (0, 0)>
module attributes {stable_mosaic.version = 14 : i64} {
  func.func @_sc_copy(%arg0: i32, %arg1: i32, %arg2: memref<65536x128xf32, #tpu.memory_space<hbm>>, %arg3: memref<65536x128xf32, #tpu.memory_space<hbm>>, %arg4: memref<256x128xf32, #tpu.memory_space<vmem>>, %arg5: memref<256x128xf32, #tpu.memory_space<vmem>>, %arg6: memref<!tpu.dma_semaphore, #tpu.memory_space<semaphore_mem>>) attributes {dimension_semantics = [#tpu.dimension_semantics<core_parallel>, #tpu.dimension_semantics<subcore_parallel>], iteration_bounds = array<i64: 2, 16>, scalar_prefetch = 0 : i64, scratch_operands = 3 : i64, tpu.core_type = #tpu.core_type<sc_vector_subcore>, window_params = [{transform_indices = #map}, {transform_indices = #map}]} {
    %mul3A = arith.constant 2 : i32
    %mul3A_0 = arith.muli %arg1, %mul3A : i32
    %add3A = arith.addi %mul3A_0, %arg0 : i32
    %mul3A_1 = arith.constant 2048 : i32
    %mul3A_2 = arith.muli %add3A, %mul3A_1 : i32
    %dma_start3A = arith.constant 0 : i32
    %dma_start3A_3 = tpu.memref_slice %arg2[%mul3A_2, %dma_start3A] : memref<65536x128xf32, #tpu.memory_space<hbm>> -> memref<256x128xf32, #tpu.memory_space<hbm>>
    %dma_start3A_4 = arith.constant 0 : i32
    %dma_start3A_5 = tpu.memref_slice %arg2[%mul3A_2, %dma_start3A_4] : memref<65536x128xf32, #tpu.memory_space<hbm>> -> memref<256x128xf32, #tpu.memory_space<hbm>>
    tpu.enqueue_dma source(%dma_start3A_5 : memref<256x128xf32, #tpu.memory_space<hbm>>) target(%arg4 : memref<256x128xf32, #tpu.memory_space<vmem>>) target_semaphore(%arg6 : memref<!tpu.dma_semaphore, #tpu.memory_space<semaphore_mem>>)
    %add3A_6 = arith.constant 0 : i32
    %add3A_7 = arith.addi %mul3A_2, %add3A_6 : i32
    %dma_wait3A = arith.constant 0 : i32
    %dma_wait3A_8 = tpu.memref_slice %arg2[%mul3A_2, %dma_wait3A] : memref<65536x128xf32, #tpu.memory_space<hbm>> -> memref<256x128xf32, #tpu.memory_space<hbm>>
    %dma_wait3A_9 = arith.constant 0 : i32
    %dma_wait3A_10 = tpu.memref_slice %arg2[%mul3A_2, %dma_wait3A_9] : memref<65536x128xf32, #tpu.memory_space<hbm>> -> memref<256x128xf32, #tpu.memory_space<hbm>>
    tpu.wait_dma2 semaphore(%arg6 : memref<!tpu.dma_semaphore, #tpu.memory_space<semaphore_mem>>) src(%dma_wait3A_10 : memref<256x128xf32, #tpu.memory_space<hbm>>) dst(%arg4 : memref<256x128xf32, #tpu.memory_space<vmem>>)
    %add3A_11 = arith.constant 256 : i32
    %add3A_12 = arith.addi %add3A_7, %add3A_11 : i32
    %dma_start3A_13 = arith.constant 0 : i32
    %dma_start3A_14 = tpu.memref_slice %arg2[%add3A_12, %dma_start3A_13] : memref<65536x128xf32, #tpu.memory_space<hbm>> -> memref<256x128xf32, #tpu.memory_space<hbm>>
    %dma_start3A_15 = arith.constant 0 : i32
    %dma_start3A_16 = tpu.memref_slice %arg2[%add3A_12, %dma_start3A_15] : memref<65536x128xf32, #tpu.memory_space<hbm>> -> memref<256x128xf32, #tpu.memory_space<hbm>>
    tpu.enqueue_dma source(%dma_start3A_16 : memref<256x128xf32, #tpu.memory_space<hbm>>) target(%arg5 : memref<256x128xf32, #tpu.memory_space<vmem>>) target_semaphore(%arg6 : memref<!tpu.dma_semaphore, #tpu.memory_space<semaphore_mem>>)
    "tpu.region"() ({
      %run_scoped3A = tpu.sem_alloc : memref<!tpu.dma_semaphore, #tpu.memory_space<semaphore_mem>>
      %dma_start3A_95 = arith.constant 0 : i32
      %dma_start3A_96 = tpu.memref_slice %arg3[%add3A_7, %dma_start3A_95] : memref<65536x128xf32, #tpu.memory_space<hbm>> -> memref<256x128xf32, #tpu.memory_space<hbm>>
      %dma_start3A_97 = arith.constant 0 : i32
      %dma_start3A_98 = tpu.memref_slice %arg3[%add3A_7, %dma_start3A_97] : memref<65536x128xf32, #tpu.memory_space<hbm>> -> memref<256x128xf32, #tpu.memory_space<hbm>>
      tpu.enqueue_dma source(%arg4 : memref<256x128xf32, #tpu.memory_space<vmem>>) target(%dma_start3A_98 : memref<256x128xf32, #tpu.memory_space<hbm>>) target_semaphore(%run_scoped3A : memref<!tpu.dma_semaphore, #tpu.memory_space<semaphore_mem>>)
      %dma_wait3A_99 = arith.constant 0 : i32
      %dma_wait3A_100 = tpu.memref_slice %arg3[%add3A_7, %dma_wait3A_99] : memref<65536x128xf32, #tpu.memory_space<hbm>> -> memref<256x128xf32, #tpu.memory_space<hbm>>
      %dma_wait3A_101 = arith.constant 0 : i32
      %dma_wait3A_102 = tpu.memref_slice %arg3[%add3A_7, %dma_wait3A_101] : memref<65536x128xf32, #tpu.memory_space<hbm>> -> memref<256x128xf32, #tpu.memory_space<hbm>>
      tpu.wait_dma2 semaphore(%run_scoped3A : memref<!tpu.dma_semaphore, #tpu.memory_space<semaphore_mem>>) src(%arg4 : memref<256x128xf32, #tpu.memory_space<vmem>>) dst(%dma_wait3A_102 : memref<256x128xf32, #tpu.memory_space<hbm>>)
      tpu.yield
    }) : () -> ()
    %add3A_17 = arith.constant 256 : i32
    %add3A_18 = arith.addi %mul3A_2, %add3A_17 : i32
    %dma_wait3A_19 = arith.constant 0 : i32
    %dma_wait3A_20 = tpu.memref_slice %arg2[%add3A_12, %dma_wait3A_19] : memref<65536x128xf32, #tpu.memory_space<hbm>> -> memref<256x128xf32, #tpu.memory_space<hbm>>
    %dma_wait3A_21 = arith.constant 0 : i32
    %dma_wait3A_22 = tpu.memref_slice %arg2[%add3A_12, %dma_wait3A_21] : memref<65536x128xf32, #tpu.memory_space<hbm>> -> memref<256x128xf32, #tpu.memory_space<hbm>>
    tpu.wait_dma2 semaphore(%arg6 : memref<!tpu.dma_semaphore, #tpu.memory_space<semaphore_mem>>) src(%dma_wait3A_22 : memref<256x128xf32, #tpu.memory_space<hbm>>) dst(%arg5 : memref<256x128xf32, #tpu.memory_space<vmem>>)
    %add3A_23 = arith.constant 256 : i32
    %add3A_24 = arith.addi %add3A_18, %add3A_23 : i32
    %dma_start3A_25 = arith.constant 0 : i32
    %dma_start3A_26 = tpu.memref_slice %arg2[%add3A_24, %dma_start3A_25] : memref<65536x128xf32, #tpu.memory_space<hbm>> -> memref<256x128xf32, #tpu.memory_space<hbm>>
    %dma_start3A_27 = arith.constant 0 : i32
    %dma_start3A_28 = tpu.memref_slice %arg2[%add3A_24, %dma_start3A_27] : memref<65536x128xf32, #tpu.memory_space<hbm>> -> memref<256x128xf32, #tpu.memory_space<hbm>>
    tpu.enqueue_dma source(%dma_start3A_28 : memref<256x128xf32, #tpu.memory_space<hbm>>) target(%arg4 : memref<256x128xf32, #tpu.memory_space<vmem>>) target_semaphore(%arg6 : memref<!tpu.dma_semaphore, #tpu.memory_space<semaphore_mem>>)
    "tpu.region"() ({
      %run_scoped3A = tpu.sem_alloc : memref<!tpu.dma_semaphore, #tpu.memory_space<semaphore_mem>>
      %dma_start3A_95 = arith.constant 0 : i32
      %dma_start3A_96 = tpu.memref_slice %arg3[%add3A_18, %dma_start3A_95] : memref<65536x128xf32, #tpu.memory_space<hbm>> -> memref<256x128xf32, #tpu.memory_space<hbm>>
      %dma_start3A_97 = arith.constant 0 : i32
      %dma_start3A_98 = tpu.memref_slice %arg3[%add3A_18, %dma_start3A_97] : memref<65536x128xf32, #tpu.memory_space<hbm>> -> memref<256x128xf32, #tpu.memory_space<hbm>>
      tpu.enqueue_dma source(%arg5 : memref<256x128xf32, #tpu.memory_space<vmem>>) target(%dma_start3A_98 : memref<256x128xf32, #tpu.memory_space<hbm>>) target_semaphore(%run_scoped3A : memref<!tpu.dma_semaphore, #tpu.memory_space<semaphore_mem>>)
      %dma_wait3A_99 = arith.constant 0 : i32
      %dma_wait3A_100 = tpu.memref_slice %arg3[%add3A_18, %dma_wait3A_99] : memref<65536x128xf32, #tpu.memory_space<hbm>> -> memref<256x128xf32, #tpu.memory_space<hbm>>
      %dma_wait3A_101 = arith.constant 0 : i32
      %dma_wait3A_102 = tpu.memref_slice %arg3[%add3A_18, %dma_wait3A_101] : memref<65536x128xf32, #tpu.memory_space<hbm>> -> memref<256x128xf32, #tpu.memory_space<hbm>>
      tpu.wait_dma2 semaphore(%run_scoped3A : memref<!tpu.dma_semaphore, #tpu.memory_space<semaphore_mem>>) src(%arg5 : memref<256x128xf32, #tpu.memory_space<vmem>>) dst(%dma_wait3A_102 : memref<256x128xf32, #tpu.memory_space<hbm>>)
      tpu.yield
    }) : () -> ()
    %add3A_29 = arith.constant 512 : i32
    %add3A_30 = arith.addi %mul3A_2, %add3A_29 : i32
    %dma_wait3A_31 = arith.constant 0 : i32
    %dma_wait3A_32 = tpu.memref_slice %arg2[%add3A_24, %dma_wait3A_31] : memref<65536x128xf32, #tpu.memory_space<hbm>> -> memref<256x128xf32, #tpu.memory_space<hbm>>
    %dma_wait3A_33 = arith.constant 0 : i32
    %dma_wait3A_34 = tpu.memref_slice %arg2[%add3A_24, %dma_wait3A_33] : memref<65536x128xf32, #tpu.memory_space<hbm>> -> memref<256x128xf32, #tpu.memory_space<hbm>>
    tpu.wait_dma2 semaphore(%arg6 : memref<!tpu.dma_semaphore, #tpu.memory_space<semaphore_mem>>) src(%dma_wait3A_34 : memref<256x128xf32, #tpu.memory_space<hbm>>) dst(%arg4 : memref<256x128xf32, #tpu.memory_space<vmem>>)
    %add3A_35 = arith.constant 256 : i32
    %add3A_36 = arith.addi %add3A_30, %add3A_35 : i32
    %dma_start3A_37 = arith.constant 0 : i32
    %dma_start3A_38 = tpu.memref_slice %arg2[%add3A_36, %dma_start3A_37] : memref<65536x128xf32, #tpu.memory_space<hbm>> -> memref<256x128xf32, #tpu.memory_space<hbm>>
    %dma_start3A_39 = arith.constant 0 : i32
    %dma_start3A_40 = tpu.memref_slice %arg2[%add3A_36, %dma_start3A_39] : memref<65536x128xf32, #tpu.memory_space<hbm>> -> memref<256x128xf32, #tpu.memory_space<hbm>>
    tpu.enqueue_dma source(%dma_start3A_40 : memref<256x128xf32, #tpu.memory_space<hbm>>) target(%arg5 : memref<256x128xf32, #tpu.memory_space<vmem>>) target_semaphore(%arg6 : memref<!tpu.dma_semaphore, #tpu.memory_space<semaphore_mem>>)
    "tpu.region"() ({
      %run_scoped3A = tpu.sem_alloc : memref<!tpu.dma_semaphore, #tpu.memory_space<semaphore_mem>>
      %dma_start3A_95 = arith.constant 0 : i32
      %dma_start3A_96 = tpu.memref_slice %arg3[%add3A_30, %dma_start3A_95] : memref<65536x128xf32, #tpu.memory_space<hbm>> -> memref<256x128xf32, #tpu.memory_space<hbm>>
      %dma_start3A_97 = arith.constant 0 : i32
      %dma_start3A_98 = tpu.memref_slice %arg3[%add3A_30, %dma_start3A_97] : memref<65536x128xf32, #tpu.memory_space<hbm>> -> memref<256x128xf32, #tpu.memory_space<hbm>>
      tpu.enqueue_dma source(%arg4 : memref<256x128xf32, #tpu.memory_space<vmem>>) target(%dma_start3A_98 : memref<256x128xf32, #tpu.memory_space<hbm>>) target_semaphore(%run_scoped3A : memref<!tpu.dma_semaphore, #tpu.memory_space<semaphore_mem>>)
      %dma_wait3A_99 = arith.constant 0 : i32
      %dma_wait3A_100 = tpu.memref_slice %arg3[%add3A_30, %dma_wait3A_99] : memref<65536x128xf32, #tpu.memory_space<hbm>> -> memref<256x128xf32, #tpu.memory_space<hbm>>
      %dma_wait3A_101 = arith.constant 0 : i32
      %dma_wait3A_102 = tpu.memref_slice %arg3[%add3A_30, %dma_wait3A_101] : memref<65536x128xf32, #tpu.memory_space<hbm>> -> memref<256x128xf32, #tpu.memory_space<hbm>>
      tpu.wait_dma2 semaphore(%run_scoped3A : memref<!tpu.dma_semaphore, #tpu.memory_space<semaphore_mem>>) src(%arg4 : memref<256x128xf32, #tpu.memory_space<vmem>>) dst(%dma_wait3A_102 : memref<256x128xf32, #tpu.memory_space<hbm>>)
      tpu.yield
    }) : () -> ()
    %add3A_41 = arith.constant 768 : i32
    %add3A_42 = arith.addi %mul3A_2, %add3A_41 : i32
    %dma_wait3A_43 = arith.constant 0 : i32
    %dma_wait3A_44 = tpu.memref_slice %arg2[%add3A_36, %dma_wait3A_43] : memref<65536x128xf32, #tpu.memory_space<hbm>> -> memref<256x128xf32, #tpu.memory_space<hbm>>
    %dma_wait3A_45 = arith.constant 0 : i32
    %dma_wait3A_46 = tpu.memref_slice %arg2[%add3A_36, %dma_wait3A_45] : memref<65536x128xf32, #tpu.memory_space<hbm>> -> memref<256x128xf32, #tpu.memory_space<hbm>>
    tpu.wait_dma2 semaphore(%arg6 : memref<!tpu.dma_semaphore, #tpu.memory_space<semaphore_mem>>) src(%dma_wait3A_46 : memref<256x128xf32, #tpu.memory_space<hbm>>) dst(%arg5 : memref<256x128xf32, #tpu.memory_space<vmem>>)
    %add3A_47 = arith.constant 256 : i32
    %add3A_48 = arith.addi %add3A_42, %add3A_47 : i32
    %dma_start3A_49 = arith.constant 0 : i32
    %dma_start3A_50 = tpu.memref_slice %arg2[%add3A_48, %dma_start3A_49] : memref<65536x128xf32, #tpu.memory_space<hbm>> -> memref<256x128xf32, #tpu.memory_space<hbm>>
    %dma_start3A_51 = arith.constant 0 : i32
    %dma_start3A_52 = tpu.memref_slice %arg2[%add3A_48, %dma_start3A_51] : memref<65536x128xf32, #tpu.memory_space<hbm>> -> memref<256x128xf32, #tpu.memory_space<hbm>>
    tpu.enqueue_dma source(%dma_start3A_52 : memref<256x128xf32, #tpu.memory_space<hbm>>) target(%arg4 : memref<256x128xf32, #tpu.memory_space<vmem>>) target_semaphore(%arg6 : memref<!tpu.dma_semaphore, #tpu.memory_space<semaphore_mem>>)
    "tpu.region"() ({
      %run_scoped3A = tpu.sem_alloc : memref<!tpu.dma_semaphore, #tpu.memory_space<semaphore_mem>>
      %dma_start3A_95 = arith.constant 0 : i32
      %dma_start3A_96 = tpu.memref_slice %arg3[%add3A_42, %dma_start3A_95] : memref<65536x128xf32, #tpu.memory_space<hbm>> -> memref<256x128xf32, #tpu.memory_space<hbm>>
      %dma_start3A_97 = arith.constant 0 : i32
      %dma_start3A_98 = tpu.memref_slice %arg3[%add3A_42, %dma_start3A_97] : memref<65536x128xf32, #tpu.memory_space<hbm>> -> memref<256x128xf32, #tpu.memory_space<hbm>>
      tpu.enqueue_dma source(%arg5 : memref<256x128xf32, #tpu.memory_space<vmem>>) target(%dma_start3A_98 : memref<256x128xf32, #tpu.memory_space<hbm>>) target_semaphore(%run_scoped3A : memref<!tpu.dma_semaphore, #tpu.memory_space<semaphore_mem>>)
      %dma_wait3A_99 = arith.constant 0 : i32
      %dma_wait3A_100 = tpu.memref_slice %arg3[%add3A_42, %dma_wait3A_99] : memref<65536x128xf32, #tpu.memory_space<hbm>> -> memref<256x128xf32, #tpu.memory_space<hbm>>
      %dma_wait3A_101 = arith.constant 0 : i32
      %dma_wait3A_102 = tpu.memref_slice %arg3[%add3A_42, %dma_wait3A_101] : memref<65536x128xf32, #tpu.memory_space<hbm>> -> memref<256x128xf32, #tpu.memory_space<hbm>>
      tpu.wait_dma2 semaphore(%run_scoped3A : memref<!tpu.dma_semaphore, #tpu.memory_space<semaphore_mem>>) src(%arg5 : memref<256x128xf32, #tpu.memory_space<vmem>>) dst(%dma_wait3A_102 : memref<256x128xf32, #tpu.memory_space<hbm>>)
      tpu.yield
    }) : () -> ()
    %add3A_53 = arith.constant 1024 : i32
    %add3A_54 = arith.addi %mul3A_2, %add3A_53 : i32
    %dma_wait3A_55 = arith.constant 0 : i32
    %dma_wait3A_56 = tpu.memref_slice %arg2[%add3A_48, %dma_wait3A_55] : memref<65536x128xf32, #tpu.memory_space<hbm>> -> memref<256x128xf32, #tpu.memory_space<hbm>>
    %dma_wait3A_57 = arith.constant 0 : i32
    %dma_wait3A_58 = tpu.memref_slice %arg2[%add3A_48, %dma_wait3A_57] : memref<65536x128xf32, #tpu.memory_space<hbm>> -> memref<256x128xf32, #tpu.memory_space<hbm>>
    tpu.wait_dma2 semaphore(%arg6 : memref<!tpu.dma_semaphore, #tpu.memory_space<semaphore_mem>>) src(%dma_wait3A_58 : memref<256x128xf32, #tpu.memory_space<hbm>>) dst(%arg4 : memref<256x128xf32, #tpu.memory_space<vmem>>)
    %add3A_59 = arith.constant 256 : i32
    %add3A_60 = arith.addi %add3A_54, %add3A_59 : i32
    %dma_start3A_61 = arith.constant 0 : i32
    %dma_start3A_62 = tpu.memref_slice %arg2[%add3A_60, %dma_start3A_61] : memref<65536x128xf32, #tpu.memory_space<hbm>> -> memref<256x128xf32, #tpu.memory_space<hbm>>
    %dma_start3A_63 = arith.constant 0 : i32
    %dma_start3A_64 = tpu.memref_slice %arg2[%add3A_60, %dma_start3A_63] : memref<65536x128xf32, #tpu.memory_space<hbm>> -> memref<256x128xf32, #tpu.memory_space<hbm>>
    tpu.enqueue_dma source(%dma_start3A_64 : memref<256x128xf32, #tpu.memory_space<hbm>>) target(%arg5 : memref<256x128xf32, #tpu.memory_space<vmem>>) target_semaphore(%arg6 : memref<!tpu.dma_semaphore, #tpu.memory_space<semaphore_mem>>)
    "tpu.region"() ({
      %run_scoped3A = tpu.sem_alloc : memref<!tpu.dma_semaphore, #tpu.memory_space<semaphore_mem>>
      %dma_start3A_95 = arith.constant 0 : i32
      %dma_start3A_96 = tpu.memref_slice %arg3[%add3A_54, %dma_start3A_95] : memref<65536x128xf32, #tpu.memory_space<hbm>> -> memref<256x128xf32, #tpu.memory_space<hbm>>
      %dma_start3A_97 = arith.constant 0 : i32
      %dma_start3A_98 = tpu.memref_slice %arg3[%add3A_54, %dma_start3A_97] : memref<65536x128xf32, #tpu.memory_space<hbm>> -> memref<256x128xf32, #tpu.memory_space<hbm>>
      tpu.enqueue_dma source(%arg4 : memref<256x128xf32, #tpu.memory_space<vmem>>) target(%dma_start3A_98 : memref<256x128xf32, #tpu.memory_space<hbm>>) target_semaphore(%run_scoped3A : memref<!tpu.dma_semaphore, #tpu.memory_space<semaphore_mem>>)
      %dma_wait3A_99 = arith.constant 0 : i32
      %dma_wait3A_100 = tpu.memref_slice %arg3[%add3A_54, %dma_wait3A_99] : memref<65536x128xf32, #tpu.memory_space<hbm>> -> memref<256x128xf32, #tpu.memory_space<hbm>>
      %dma_wait3A_101 = arith.constant 0 : i32
      %dma_wait3A_102 = tpu.memref_slice %arg3[%add3A_54, %dma_wait3A_101] : memref<65536x128xf32, #tpu.memory_space<hbm>> -> memref<256x128xf32, #tpu.memory_space<hbm>>
      tpu.wait_dma2 semaphore(%run_scoped3A : memref<!tpu.dma_semaphore, #tpu.memory_space<semaphore_mem>>) src(%arg4 : memref<256x128xf32, #tpu.memory_space<vmem>>) dst(%dma_wait3A_102 : memref<256x128xf32, #tpu.memory_space<hbm>>)
      tpu.yield
    }) : () -> ()
    %add3A_65 = arith.constant 1280 : i32
    %add3A_66 = arith.addi %mul3A_2, %add3A_65 : i32
    %dma_wait3A_67 = arith.constant 0 : i32
    %dma_wait3A_68 = tpu.memref_slice %arg2[%add3A_60, %dma_wait3A_67] : memref<65536x128xf32, #tpu.memory_space<hbm>> -> memref<256x128xf32, #tpu.memory_space<hbm>>
    %dma_wait3A_69 = arith.constant 0 : i32
    %dma_wait3A_70 = tpu.memref_slice %arg2[%add3A_60, %dma_wait3A_69] : memref<65536x128xf32, #tpu.memory_space<hbm>> -> memref<256x128xf32, #tpu.memory_space<hbm>>
    tpu.wait_dma2 semaphore(%arg6 : memref<!tpu.dma_semaphore, #tpu.memory_space<semaphore_mem>>) src(%dma_wait3A_70 : memref<256x128xf32, #tpu.memory_space<hbm>>) dst(%arg5 : memref<256x128xf32, #tpu.memory_space<vmem>>)
    %add3A_71 = arith.constant 256 : i32
    %add3A_72 = arith.addi %add3A_66, %add3A_71 : i32
    %dma_start3A_73 = arith.constant 0 : i32
    %dma_start3A_74 = tpu.memref_slice %arg2[%add3A_72, %dma_start3A_73] : memref<65536x128xf32, #tpu.memory_space<hbm>> -> memref<256x128xf32, #tpu.memory_space<hbm>>
    %dma_start3A_75 = arith.constant 0 : i32
    %dma_start3A_76 = tpu.memref_slice %arg2[%add3A_72, %dma_start3A_75] : memref<65536x128xf32, #tpu.memory_space<hbm>> -> memref<256x128xf32, #tpu.memory_space<hbm>>
    tpu.enqueue_dma source(%dma_start3A_76 : memref<256x128xf32, #tpu.memory_space<hbm>>) target(%arg4 : memref<256x128xf32, #tpu.memory_space<vmem>>) target_semaphore(%arg6 : memref<!tpu.dma_semaphore, #tpu.memory_space<semaphore_mem>>)
    "tpu.region"() ({
      %run_scoped3A = tpu.sem_alloc : memref<!tpu.dma_semaphore, #tpu.memory_space<semaphore_mem>>
      %dma_start3A_95 = arith.constant 0 : i32
      %dma_start3A_96 = tpu.memref_slice %arg3[%add3A_66, %dma_start3A_95] : memref<65536x128xf32, #tpu.memory_space<hbm>> -> memref<256x128xf32, #tpu.memory_space<hbm>>
      %dma_start3A_97 = arith.constant 0 : i32
      %dma_start3A_98 = tpu.memref_slice %arg3[%add3A_66, %dma_start3A_97] : memref<65536x128xf32, #tpu.memory_space<hbm>> -> memref<256x128xf32, #tpu.memory_space<hbm>>
      tpu.enqueue_dma source(%arg5 : memref<256x128xf32, #tpu.memory_space<vmem>>) target(%dma_start3A_98 : memref<256x128xf32, #tpu.memory_space<hbm>>) target_semaphore(%run_scoped3A : memref<!tpu.dma_semaphore, #tpu.memory_space<semaphore_mem>>)
      %dma_wait3A_99 = arith.constant 0 : i32
      %dma_wait3A_100 = tpu.memref_slice %arg3[%add3A_66, %dma_wait3A_99] : memref<65536x128xf32, #tpu.memory_space<hbm>> -> memref<256x128xf32, #tpu.memory_space<hbm>>
      %dma_wait3A_101 = arith.constant 0 : i32
      %dma_wait3A_102 = tpu.memref_slice %arg3[%add3A_66, %dma_wait3A_101] : memref<65536x128xf32, #tpu.memory_space<hbm>> -> memref<256x128xf32, #tpu.memory_space<hbm>>
      tpu.wait_dma2 semaphore(%run_scoped3A : memref<!tpu.dma_semaphore, #tpu.memory_space<semaphore_mem>>) src(%arg5 : memref<256x128xf32, #tpu.memory_space<vmem>>) dst(%dma_wait3A_102 : memref<256x128xf32, #tpu.memory_space<hbm>>)
      tpu.yield
    }) : () -> ()
    %add3A_77 = arith.constant 1536 : i32
    %add3A_78 = arith.addi %mul3A_2, %add3A_77 : i32
    %dma_wait3A_79 = arith.constant 0 : i32
    %dma_wait3A_80 = tpu.memref_slice %arg2[%add3A_72, %dma_wait3A_79] : memref<65536x128xf32, #tpu.memory_space<hbm>> -> memref<256x128xf32, #tpu.memory_space<hbm>>
    %dma_wait3A_81 = arith.constant 0 : i32
    %dma_wait3A_82 = tpu.memref_slice %arg2[%add3A_72, %dma_wait3A_81] : memref<65536x128xf32, #tpu.memory_space<hbm>> -> memref<256x128xf32, #tpu.memory_space<hbm>>
    tpu.wait_dma2 semaphore(%arg6 : memref<!tpu.dma_semaphore, #tpu.memory_space<semaphore_mem>>) src(%dma_wait3A_82 : memref<256x128xf32, #tpu.memory_space<hbm>>) dst(%arg4 : memref<256x128xf32, #tpu.memory_space<vmem>>)
    %add3A_83 = arith.constant 256 : i32
    %add3A_84 = arith.addi %add3A_78, %add3A_83 : i32
    %dma_start3A_85 = arith.constant 0 : i32
    %dma_start3A_86 = tpu.memref_slice %arg2[%add3A_84, %dma_start3A_85] : memref<65536x128xf32, #tpu.memory_space<hbm>> -> memref<256x128xf32, #tpu.memory_space<hbm>>
    %dma_start3A_87 = arith.constant 0 : i32
    %dma_start3A_88 = tpu.memref_slice %arg2[%add3A_84, %dma_start3A_87] : memref<65536x128xf32, #tpu.memory_space<hbm>> -> memref<256x128xf32, #tpu.memory_space<hbm>>
    tpu.enqueue_dma source(%dma_start3A_88 : memref<256x128xf32, #tpu.memory_space<hbm>>) target(%arg5 : memref<256x128xf32, #tpu.memory_space<vmem>>) target_semaphore(%arg6 : memref<!tpu.dma_semaphore, #tpu.memory_space<semaphore_mem>>)
    "tpu.region"() ({
      %run_scoped3A = tpu.sem_alloc : memref<!tpu.dma_semaphore, #tpu.memory_space<semaphore_mem>>
      %dma_start3A_95 = arith.constant 0 : i32
      %dma_start3A_96 = tpu.memref_slice %arg3[%add3A_78, %dma_start3A_95] : memref<65536x128xf32, #tpu.memory_space<hbm>> -> memref<256x128xf32, #tpu.memory_space<hbm>>
      %dma_start3A_97 = arith.constant 0 : i32
      %dma_start3A_98 = tpu.memref_slice %arg3[%add3A_78, %dma_start3A_97] : memref<65536x128xf32, #tpu.memory_space<hbm>> -> memref<256x128xf32, #tpu.memory_space<hbm>>
      tpu.enqueue_dma source(%arg4 : memref<256x128xf32, #tpu.memory_space<vmem>>) target(%dma_start3A_98 : memref<256x128xf32, #tpu.memory_space<hbm>>) target_semaphore(%run_scoped3A : memref<!tpu.dma_semaphore, #tpu.memory_space<semaphore_mem>>)
      %dma_wait3A_99 = arith.constant 0 : i32
      %dma_wait3A_100 = tpu.memref_slice %arg3[%add3A_78, %dma_wait3A_99] : memref<65536x128xf32, #tpu.memory_space<hbm>> -> memref<256x128xf32, #tpu.memory_space<hbm>>
      %dma_wait3A_101 = arith.constant 0 : i32
      %dma_wait3A_102 = tpu.memref_slice %arg3[%add3A_78, %dma_wait3A_101] : memref<65536x128xf32, #tpu.memory_space<hbm>> -> memref<256x128xf32, #tpu.memory_space<hbm>>
      tpu.wait_dma2 semaphore(%run_scoped3A : memref<!tpu.dma_semaphore, #tpu.memory_space<semaphore_mem>>) src(%arg4 : memref<256x128xf32, #tpu.memory_space<vmem>>) dst(%dma_wait3A_102 : memref<256x128xf32, #tpu.memory_space<hbm>>)
      tpu.yield
    }) : () -> ()
    %add3A_89 = arith.constant 1792 : i32
    %add3A_90 = arith.addi %mul3A_2, %add3A_89 : i32
    %dma_wait3A_91 = arith.constant 0 : i32
    %dma_wait3A_92 = tpu.memref_slice %arg2[%add3A_84, %dma_wait3A_91] : memref<65536x128xf32, #tpu.memory_space<hbm>> -> memref<256x128xf32, #tpu.memory_space<hbm>>
    %dma_wait3A_93 = arith.constant 0 : i32
    %dma_wait3A_94 = tpu.memref_slice %arg2[%add3A_84, %dma_wait3A_93] : memref<65536x128xf32, #tpu.memory_space<hbm>> -> memref<256x128xf32, #tpu.memory_space<hbm>>
    tpu.wait_dma2 semaphore(%arg6 : memref<!tpu.dma_semaphore, #tpu.memory_space<semaphore_mem>>) src(%dma_wait3A_94 : memref<256x128xf32, #tpu.memory_space<hbm>>) dst(%arg5 : memref<256x128xf32, #tpu.memory_space<vmem>>)
    "tpu.region"() ({
      %run_scoped3A = tpu.sem_alloc : memref<!tpu.dma_semaphore, #tpu.memory_space<semaphore_mem>>
      %dma_start3A_95 = arith.constant 0 : i32
      %dma_start3A_96 = tpu.memref_slice %arg3[%add3A_90, %dma_start3A_95] : memref<65536x128xf32, #tpu.memory_space<hbm>> -> memref<256x128xf32, #tpu.memory_space<hbm>>
      %dma_start3A_97 = arith.constant 0 : i32
      %dma_start3A_98 = tpu.memref_slice %arg3[%add3A_90, %dma_start3A_97] : memref<65536x128xf32, #tpu.memory_space<hbm>> -> memref<256x128xf32, #tpu.memory_space<hbm>>
      tpu.enqueue_dma source(%arg5 : memref<256x128xf32, #tpu.memory_space<vmem>>) target(%dma_start3A_98 : memref<256x128xf32, #tpu.memory_space<hbm>>) target_semaphore(%run_scoped3A : memref<!tpu.dma_semaphore, #tpu.memory_space<semaphore_mem>>)
      %dma_wait3A_99 = arith.constant 0 : i32
      %dma_wait3A_100 = tpu.memref_slice %arg3[%add3A_90, %dma_wait3A_99] : memref<65536x128xf32, #tpu.memory_space<hbm>> -> memref<256x128xf32, #tpu.memory_space<hbm>>
      %dma_wait3A_101 = arith.constant 0 : i32
      %dma_wait3A_102 = tpu.memref_slice %arg3[%add3A_90, %dma_wait3A_101] : memref<65536x128xf32, #tpu.memory_space<hbm>> -> memref<256x128xf32, #tpu.memory_space<hbm>>
      tpu.wait_dma2 semaphore(%run_scoped3A : memref<!tpu.dma_semaphore, #tpu.memory_space<semaphore_mem>>) src(%arg5 : memref<256x128xf32, #tpu.memory_space<vmem>>) dst(%dma_wait3A_102 : memref<256x128xf32, #tpu.memory_space<hbm>>)
      tpu.yield
    }) : () -> ()
    return
  }
}

module attributes {stable_mosaic.version = 14 : i64} {
  func.func @_tc_body(%arg0: memref<1024x128xf32, #tpu.memory_space<any>>, %arg1: memref<65536x128xf32, #tpu.memory_space<any>>, %arg2: memref<65536x128xf32, #tpu.memory_space<any>>, %arg3: memref<1024x128xf32, #tpu.memory_space<vmem>>, %arg4: memref<!tpu.dma_semaphore, #tpu.memory_space<semaphore_mem>>, %arg5: memref<4096x128xf32, #tpu.memory_space<vmem>>, %arg6: memref<4096x128xf32, #tpu.memory_space<vmem>>, %arg7: memref<4096x128xf32, #tpu.memory_space<vmem>>, %arg8: memref<4096x128xf32, #tpu.memory_space<vmem>>, %arg9: memref<!tpu.dma_semaphore, #tpu.memory_space<semaphore_mem>>, %arg10: memref<!tpu.dma_semaphore, #tpu.memory_space<semaphore_mem>>, %arg11: memref<!tpu.dma_semaphore, #tpu.memory_space<semaphore_mem>>, %arg12: memref<!tpu.dma_semaphore, #tpu.memory_space<semaphore_mem>>, %arg13: memref<!tpu.dma_semaphore, #tpu.memory_space<semaphore_mem>>, %arg14: memref<!tpu.dma_semaphore, #tpu.memory_space<semaphore_mem>>, %arg15: memref<!tpu.dma_semaphore, #tpu.memory_space<semaphore_mem>>, %arg16: memref<!tpu.dma_semaphore, #tpu.memory_space<semaphore_mem>>) attributes {dimension_semantics = [], scalar_prefetch = 0 : i64, scratch_operands = 14 : i64, tpu.core_type = #tpu.core_type<tc>} {
    tpu.enqueue_dma source(%arg0 : memref<1024x128xf32, #tpu.memory_space<any>>) target(%arg3 : memref<1024x128xf32, #tpu.memory_space<vmem>>) target_semaphore(%arg4 : memref<!tpu.dma_semaphore, #tpu.memory_space<semaphore_mem>>)
    %dma_start3A = arith.constant 0 : i32
    %dma_start3A_0 = arith.constant 0 : i32
    %dma_start3A_1 = tpu.memref_slice %arg5[%dma_start3A, %dma_start3A_0] : memref<4096x128xf32, #tpu.memory_space<vmem>> -> memref<4096x128xf32, #tpu.memory_space<vmem>>
    %dma_start3A_2 = arith.constant 0 : i32
    %dma_start3A_3 = arith.constant 0 : i32
    %dma_start3A_4 = tpu.memref_slice %arg1[%dma_start3A_2, %dma_start3A_3] : memref<65536x128xf32, #tpu.memory_space<any>> -> memref<4096x128xf32, #tpu.memory_space<any>>
    tpu.enqueue_dma source(%dma_start3A_4 : memref<4096x128xf32, #tpu.memory_space<any>>) target(%dma_start3A_1 : memref<4096x128xf32, #tpu.memory_space<vmem>>) target_semaphore(%arg9 : memref<!tpu.dma_semaphore, #tpu.memory_space<semaphore_mem>>)
    %dma_start3A_5 = arith.constant 0 : i32
    %dma_start3A_6 = arith.constant 0 : i32
    %dma_start3A_7 = tpu.memref_slice %arg6[%dma_start3A_5, %dma_start3A_6] : memref<4096x128xf32, #tpu.memory_space<vmem>> -> memref<4096x128xf32, #tpu.memory_space<vmem>>
    %dma_start3A_8 = arith.constant 4096 : i32
    %dma_start3A_9 = arith.constant 0 : i32
    %dma_start3A_10 = tpu.memref_slice %arg1[%dma_start3A_8, %dma_start3A_9] : memref<65536x128xf32, #tpu.memory_space<any>> -> memref<4096x128xf32, #tpu.memory_space<any>>
    tpu.enqueue_dma source(%dma_start3A_10 : memref<4096x128xf32, #tpu.memory_space<any>>) target(%dma_start3A_7 : memref<4096x128xf32, #tpu.memory_space<vmem>>) target_semaphore(%arg10 : memref<!tpu.dma_semaphore, #tpu.memory_space<semaphore_mem>>)
    %dma_start3A_11 = arith.constant 0 : i32
    %dma_start3A_12 = arith.constant 0 : i32
    %dma_start3A_13 = tpu.memref_slice %arg7[%dma_start3A_11, %dma_start3A_12] : memref<4096x128xf32, #tpu.memory_space<vmem>> -> memref<4096x128xf32, #tpu.memory_space<vmem>>
    %dma_start3A_14 = arith.constant 8192 : i32
    %dma_start3A_15 = arith.constant 0 : i32
    %dma_start3A_16 = tpu.memref_slice %arg1[%dma_start3A_14, %dma_start3A_15] : memref<65536x128xf32, #tpu.memory_space<any>> -> memref<4096x128xf32, #tpu.memory_space<any>>
    tpu.enqueue_dma source(%dma_start3A_16 : memref<4096x128xf32, #tpu.memory_space<any>>) target(%dma_start3A_13 : memref<4096x128xf32, #tpu.memory_space<vmem>>) target_semaphore(%arg11 : memref<!tpu.dma_semaphore, #tpu.memory_space<semaphore_mem>>)
    %dma_wait3A = arith.constant 0 : i32
    %dma_wait3A_17 = arith.constant 0 : i32
    %dma_wait3A_18 = tpu.memref_slice %arg5[%dma_wait3A, %dma_wait3A_17] : memref<4096x128xf32, #tpu.memory_space<vmem>> -> memref<4096x128xf32, #tpu.memory_space<vmem>>
    %dma_wait3A_19 = arith.constant 0 : i32
    %dma_wait3A_20 = arith.constant 0 : i32
    %dma_wait3A_21 = tpu.memref_slice %arg1[%dma_wait3A_19, %dma_wait3A_20] : memref<65536x128xf32, #tpu.memory_space<any>> -> memref<4096x128xf32, #tpu.memory_space<any>>
    tpu.wait_dma2 semaphore(%arg9 : memref<!tpu.dma_semaphore, #tpu.memory_space<semaphore_mem>>) src(%dma_wait3A_21 : memref<4096x128xf32, #tpu.memory_space<any>>) dst(%dma_wait3A_18 : memref<4096x128xf32, #tpu.memory_space<vmem>>)
    %dma_start3A_22 = arith.constant 1024 : i32
    %dma_start3A_23 = arith.constant 0 : i32
    %dma_start3A_24 = tpu.memref_slice %arg2[%dma_start3A_22, %dma_start3A_23] : memref<65536x128xf32, #tpu.memory_space<any>> -> memref<4096x128xf32, #tpu.memory_space<any>>
    %dma_start3A_25 = arith.constant 0 : i32
    %dma_start3A_26 = arith.constant 0 : i32
    %dma_start3A_27 = tpu.memref_slice %arg5[%dma_start3A_25, %dma_start3A_26] : memref<4096x128xf32, #tpu.memory_space<vmem>> -> memref<4096x128xf32, #tpu.memory_space<vmem>>
    tpu.enqueue_dma source(%dma_start3A_27 : memref<4096x128xf32, #tpu.memory_space<vmem>>) target(%dma_start3A_24 : memref<4096x128xf32, #tpu.memory_space<any>>) target_semaphore(%arg13 : memref<!tpu.dma_semaphore, #tpu.memory_space<semaphore_mem>>)
    tpu.wait_dma2 semaphore(%arg4 : memref<!tpu.dma_semaphore, #tpu.memory_space<semaphore_mem>>) src(%arg0 : memref<1024x128xf32, #tpu.memory_space<any>>) dst(%arg3 : memref<1024x128xf32, #tpu.memory_space<vmem>>)
    %dma_start3A_28 = arith.constant 0 : i32
    %dma_start3A_29 = arith.constant 0 : i32
    %dma_start3A_30 = tpu.memref_slice %arg2[%dma_start3A_28, %dma_start3A_29] : memref<65536x128xf32, #tpu.memory_space<any>> -> memref<1024x128xf32, #tpu.memory_space<any>>
    tpu.enqueue_dma source(%arg3 : memref<1024x128xf32, #tpu.memory_space<vmem>>) target(%dma_start3A_30 : memref<1024x128xf32, #tpu.memory_space<any>>) target_semaphore(%arg4 : memref<!tpu.dma_semaphore, #tpu.memory_space<semaphore_mem>>)
    %dma_start3A_31 = arith.constant 0 : i32
    %dma_start3A_32 = arith.constant 0 : i32
    %dma_start3A_33 = tpu.memref_slice %arg8[%dma_start3A_31, %dma_start3A_32] : memref<4096x128xf32, #tpu.memory_space<vmem>> -> memref<4096x128xf32, #tpu.memory_space<vmem>>
    %dma_start3A_34 = arith.constant 12288 : i32
    %dma_start3A_35 = arith.constant 0 : i32
    %dma_start3A_36 = tpu.memref_slice %arg1[%dma_start3A_34, %dma_start3A_35] : memref<65536x128xf32, #tpu.memory_space<any>> -> memref<4096x128xf32, #tpu.memory_space<any>>
    tpu.enqueue_dma source(%dma_start3A_36 : memref<4096x128xf32, #tpu.memory_space<any>>) target(%dma_start3A_33 : memref<4096x128xf32, #tpu.memory_space<vmem>>) target_semaphore(%arg12 : memref<!tpu.dma_semaphore, #tpu.memory_space<semaphore_mem>>)
    %dma_wait3A_37 = arith.constant 0 : i32
    %dma_wait3A_38 = arith.constant 0 : i32
    %dma_wait3A_39 = tpu.memref_slice %arg6[%dma_wait3A_37, %dma_wait3A_38] : memref<4096x128xf32, #tpu.memory_space<vmem>> -> memref<4096x128xf32, #tpu.memory_space<vmem>>
    %dma_wait3A_40 = arith.constant 4096 : i32
    %dma_wait3A_41 = arith.constant 0 : i32
    %dma_wait3A_42 = tpu.memref_slice %arg1[%dma_wait3A_40, %dma_wait3A_41] : memref<65536x128xf32, #tpu.memory_space<any>> -> memref<4096x128xf32, #tpu.memory_space<any>>
    tpu.wait_dma2 semaphore(%arg10 : memref<!tpu.dma_semaphore, #tpu.memory_space<semaphore_mem>>) src(%dma_wait3A_42 : memref<4096x128xf32, #tpu.memory_space<any>>) dst(%dma_wait3A_39 : memref<4096x128xf32, #tpu.memory_space<vmem>>)
    %dma_start3A_43 = arith.constant 5120 : i32
    %dma_start3A_44 = arith.constant 0 : i32
    %dma_start3A_45 = tpu.memref_slice %arg2[%dma_start3A_43, %dma_start3A_44] : memref<65536x128xf32, #tpu.memory_space<any>> -> memref<4096x128xf32, #tpu.memory_space<any>>
    %dma_start3A_46 = arith.constant 0 : i32
    %dma_start3A_47 = arith.constant 0 : i32
    %dma_start3A_48 = tpu.memref_slice %arg6[%dma_start3A_46, %dma_start3A_47] : memref<4096x128xf32, #tpu.memory_space<vmem>> -> memref<4096x128xf32, #tpu.memory_space<vmem>>
    tpu.enqueue_dma source(%dma_start3A_48 : memref<4096x128xf32, #tpu.memory_space<vmem>>) target(%dma_start3A_45 : memref<4096x128xf32, #tpu.memory_space<any>>) target_semaphore(%arg14 : memref<!tpu.dma_semaphore, #tpu.memory_space<semaphore_mem>>)
    %dma_wait3A_49 = arith.constant 1024 : i32
    %dma_wait3A_50 = arith.constant 0 : i32
    %dma_wait3A_51 = tpu.memref_slice %arg2[%dma_wait3A_49, %dma_wait3A_50] : memref<65536x128xf32, #tpu.memory_space<any>> -> memref<4096x128xf32, #tpu.memory_space<any>>
    %dma_wait3A_52 = arith.constant 0 : i32
    %dma_wait3A_53 = arith.constant 0 : i32
    %dma_wait3A_54 = tpu.memref_slice %arg5[%dma_wait3A_52, %dma_wait3A_53] : memref<4096x128xf32, #tpu.memory_space<vmem>> -> memref<4096x128xf32, #tpu.memory_space<vmem>>
    tpu.wait_dma2 semaphore(%arg13 : memref<!tpu.dma_semaphore, #tpu.memory_space<semaphore_mem>>) src(%dma_wait3A_54 : memref<4096x128xf32, #tpu.memory_space<vmem>>) dst(%dma_wait3A_51 : memref<4096x128xf32, #tpu.memory_space<any>>)
    %dma_start3A_55 = arith.constant 0 : i32
    %dma_start3A_56 = arith.constant 0 : i32
    %dma_start3A_57 = tpu.memref_slice %arg5[%dma_start3A_55, %dma_start3A_56] : memref<4096x128xf32, #tpu.memory_space<vmem>> -> memref<4096x128xf32, #tpu.memory_space<vmem>>
    %dma_start3A_58 = arith.constant 16384 : i32
    %dma_start3A_59 = arith.constant 0 : i32
    %dma_start3A_60 = tpu.memref_slice %arg1[%dma_start3A_58, %dma_start3A_59] : memref<65536x128xf32, #tpu.memory_space<any>> -> memref<4096x128xf32, #tpu.memory_space<any>>
    tpu.enqueue_dma source(%dma_start3A_60 : memref<4096x128xf32, #tpu.memory_space<any>>) target(%dma_start3A_57 : memref<4096x128xf32, #tpu.memory_space<vmem>>) target_semaphore(%arg9 : memref<!tpu.dma_semaphore, #tpu.memory_space<semaphore_mem>>)
    %dma_wait3A_61 = arith.constant 0 : i32
    %dma_wait3A_62 = arith.constant 0 : i32
    %dma_wait3A_63 = tpu.memref_slice %arg7[%dma_wait3A_61, %dma_wait3A_62] : memref<4096x128xf32, #tpu.memory_space<vmem>> -> memref<4096x128xf32, #tpu.memory_space<vmem>>
    %dma_wait3A_64 = arith.constant 8192 : i32
    %dma_wait3A_65 = arith.constant 0 : i32
    %dma_wait3A_66 = tpu.memref_slice %arg1[%dma_wait3A_64, %dma_wait3A_65] : memref<65536x128xf32, #tpu.memory_space<any>> -> memref<4096x128xf32, #tpu.memory_space<any>>
    tpu.wait_dma2 semaphore(%arg11 : memref<!tpu.dma_semaphore, #tpu.memory_space<semaphore_mem>>) src(%dma_wait3A_66 : memref<4096x128xf32, #tpu.memory_space<any>>) dst(%dma_wait3A_63 : memref<4096x128xf32, #tpu.memory_space<vmem>>)
    %dma_start3A_67 = arith.constant 9216 : i32
    %dma_start3A_68 = arith.constant 0 : i32
    %dma_start3A_69 = tpu.memref_slice %arg2[%dma_start3A_67, %dma_start3A_68] : memref<65536x128xf32, #tpu.memory_space<any>> -> memref<4096x128xf32, #tpu.memory_space<any>>
    %dma_start3A_70 = arith.constant 0 : i32
    %dma_start3A_71 = arith.constant 0 : i32
    %dma_start3A_72 = tpu.memref_slice %arg7[%dma_start3A_70, %dma_start3A_71] : memref<4096x128xf32, #tpu.memory_space<vmem>> -> memref<4096x128xf32, #tpu.memory_space<vmem>>
    tpu.enqueue_dma source(%dma_start3A_72 : memref<4096x128xf32, #tpu.memory_space<vmem>>) target(%dma_start3A_69 : memref<4096x128xf32, #tpu.memory_space<any>>) target_semaphore(%arg15 : memref<!tpu.dma_semaphore, #tpu.memory_space<semaphore_mem>>)
    %dma_wait3A_73 = arith.constant 5120 : i32
    %dma_wait3A_74 = arith.constant 0 : i32
    %dma_wait3A_75 = tpu.memref_slice %arg2[%dma_wait3A_73, %dma_wait3A_74] : memref<65536x128xf32, #tpu.memory_space<any>> -> memref<4096x128xf32, #tpu.memory_space<any>>
    %dma_wait3A_76 = arith.constant 0 : i32
    %dma_wait3A_77 = arith.constant 0 : i32
    %dma_wait3A_78 = tpu.memref_slice %arg6[%dma_wait3A_76, %dma_wait3A_77] : memref<4096x128xf32, #tpu.memory_space<vmem>> -> memref<4096x128xf32, #tpu.memory_space<vmem>>
    tpu.wait_dma2 semaphore(%arg14 : memref<!tpu.dma_semaphore, #tpu.memory_space<semaphore_mem>>) src(%dma_wait3A_78 : memref<4096x128xf32, #tpu.memory_space<vmem>>) dst(%dma_wait3A_75 : memref<4096x128xf32, #tpu.memory_space<any>>)
    %dma_start3A_79 = arith.constant 0 : i32
    %dma_start3A_80 = arith.constant 0 : i32
    %dma_start3A_81 = tpu.memref_slice %arg6[%dma_start3A_79, %dma_start3A_80] : memref<4096x128xf32, #tpu.memory_space<vmem>> -> memref<4096x128xf32, #tpu.memory_space<vmem>>
    %dma_start3A_82 = arith.constant 20480 : i32
    %dma_start3A_83 = arith.constant 0 : i32
    %dma_start3A_84 = tpu.memref_slice %arg1[%dma_start3A_82, %dma_start3A_83] : memref<65536x128xf32, #tpu.memory_space<any>> -> memref<4096x128xf32, #tpu.memory_space<any>>
    tpu.enqueue_dma source(%dma_start3A_84 : memref<4096x128xf32, #tpu.memory_space<any>>) target(%dma_start3A_81 : memref<4096x128xf32, #tpu.memory_space<vmem>>) target_semaphore(%arg10 : memref<!tpu.dma_semaphore, #tpu.memory_space<semaphore_mem>>)
    %dma_wait3A_85 = arith.constant 0 : i32
    %dma_wait3A_86 = arith.constant 0 : i32
    %dma_wait3A_87 = tpu.memref_slice %arg8[%dma_wait3A_85, %dma_wait3A_86] : memref<4096x128xf32, #tpu.memory_space<vmem>> -> memref<4096x128xf32, #tpu.memory_space<vmem>>
    %dma_wait3A_88 = arith.constant 12288 : i32
    %dma_wait3A_89 = arith.constant 0 : i32
    %dma_wait3A_90 = tpu.memref_slice %arg1[%dma_wait3A_88, %dma_wait3A_89] : memref<65536x128xf32, #tpu.memory_space<any>> -> memref<4096x128xf32, #tpu.memory_space<any>>
    tpu.wait_dma2 semaphore(%arg12 : memref<!tpu.dma_semaphore, #tpu.memory_space<semaphore_mem>>) src(%dma_wait3A_90 : memref<4096x128xf32, #tpu.memory_space<any>>) dst(%dma_wait3A_87 : memref<4096x128xf32, #tpu.memory_space<vmem>>)
    %dma_start3A_91 = arith.constant 13312 : i32
    %dma_start3A_92 = arith.constant 0 : i32
    %dma_start3A_93 = tpu.memref_slice %arg2[%dma_start3A_91, %dma_start3A_92] : memref<65536x128xf32, #tpu.memory_space<any>> -> memref<4096x128xf32, #tpu.memory_space<any>>
    %dma_start3A_94 = arith.constant 0 : i32
    %dma_start3A_95 = arith.constant 0 : i32
    %dma_start3A_96 = tpu.memref_slice %arg8[%dma_start3A_94, %dma_start3A_95] : memref<4096x128xf32, #tpu.memory_space<vmem>> -> memref<4096x128xf32, #tpu.memory_space<vmem>>
    tpu.enqueue_dma source(%dma_start3A_96 : memref<4096x128xf32, #tpu.memory_space<vmem>>) target(%dma_start3A_93 : memref<4096x128xf32, #tpu.memory_space<any>>) target_semaphore(%arg16 : memref<!tpu.dma_semaphore, #tpu.memory_space<semaphore_mem>>)
    %dma_wait3A_97 = arith.constant 9216 : i32
    %dma_wait3A_98 = arith.constant 0 : i32
    %dma_wait3A_99 = tpu.memref_slice %arg2[%dma_wait3A_97, %dma_wait3A_98] : memref<65536x128xf32, #tpu.memory_space<any>> -> memref<4096x128xf32, #tpu.memory_space<any>>
    %dma_wait3A_100 = arith.constant 0 : i32
    %dma_wait3A_101 = arith.constant 0 : i32
    %dma_wait3A_102 = tpu.memref_slice %arg7[%dma_wait3A_100, %dma_wait3A_101] : memref<4096x128xf32, #tpu.memory_space<vmem>> -> memref<4096x128xf32, #tpu.memory_space<vmem>>
    tpu.wait_dma2 semaphore(%arg15 : memref<!tpu.dma_semaphore, #tpu.memory_space<semaphore_mem>>) src(%dma_wait3A_102 : memref<4096x128xf32, #tpu.memory_space<vmem>>) dst(%dma_wait3A_99 : memref<4096x128xf32, #tpu.memory_space<any>>)
    %dma_start3A_103 = arith.constant 0 : i32
    %dma_start3A_104 = arith.constant 0 : i32
    %dma_start3A_105 = tpu.memref_slice %arg7[%dma_start3A_103, %dma_start3A_104] : memref<4096x128xf32, #tpu.memory_space<vmem>> -> memref<4096x128xf32, #tpu.memory_space<vmem>>
    %dma_start3A_106 = arith.constant 24576 : i32
    %dma_start3A_107 = arith.constant 0 : i32
    %dma_start3A_108 = tpu.memref_slice %arg1[%dma_start3A_106, %dma_start3A_107] : memref<65536x128xf32, #tpu.memory_space<any>> -> memref<4096x128xf32, #tpu.memory_space<any>>
    tpu.enqueue_dma source(%dma_start3A_108 : memref<4096x128xf32, #tpu.memory_space<any>>) target(%dma_start3A_105 : memref<4096x128xf32, #tpu.memory_space<vmem>>) target_semaphore(%arg11 : memref<!tpu.dma_semaphore, #tpu.memory_space<semaphore_mem>>)
    %dma_wait3A_109 = arith.constant 0 : i32
    %dma_wait3A_110 = arith.constant 0 : i32
    %dma_wait3A_111 = tpu.memref_slice %arg5[%dma_wait3A_109, %dma_wait3A_110] : memref<4096x128xf32, #tpu.memory_space<vmem>> -> memref<4096x128xf32, #tpu.memory_space<vmem>>
    %dma_wait3A_112 = arith.constant 16384 : i32
    %dma_wait3A_113 = arith.constant 0 : i32
    %dma_wait3A_114 = tpu.memref_slice %arg1[%dma_wait3A_112, %dma_wait3A_113] : memref<65536x128xf32, #tpu.memory_space<any>> -> memref<4096x128xf32, #tpu.memory_space<any>>
    tpu.wait_dma2 semaphore(%arg9 : memref<!tpu.dma_semaphore, #tpu.memory_space<semaphore_mem>>) src(%dma_wait3A_114 : memref<4096x128xf32, #tpu.memory_space<any>>) dst(%dma_wait3A_111 : memref<4096x128xf32, #tpu.memory_space<vmem>>)
    %dma_start3A_115 = arith.constant 17408 : i32
    %dma_start3A_116 = arith.constant 0 : i32
    %dma_start3A_117 = tpu.memref_slice %arg2[%dma_start3A_115, %dma_start3A_116] : memref<65536x128xf32, #tpu.memory_space<any>> -> memref<4096x128xf32, #tpu.memory_space<any>>
    %dma_start3A_118 = arith.constant 0 : i32
    %dma_start3A_119 = arith.constant 0 : i32
    %dma_start3A_120 = tpu.memref_slice %arg5[%dma_start3A_118, %dma_start3A_119] : memref<4096x128xf32, #tpu.memory_space<vmem>> -> memref<4096x128xf32, #tpu.memory_space<vmem>>
    tpu.enqueue_dma source(%dma_start3A_120 : memref<4096x128xf32, #tpu.memory_space<vmem>>) target(%dma_start3A_117 : memref<4096x128xf32, #tpu.memory_space<any>>) target_semaphore(%arg13 : memref<!tpu.dma_semaphore, #tpu.memory_space<semaphore_mem>>)
    %dma_wait3A_121 = arith.constant 13312 : i32
    %dma_wait3A_122 = arith.constant 0 : i32
    %dma_wait3A_123 = tpu.memref_slice %arg2[%dma_wait3A_121, %dma_wait3A_122] : memref<65536x128xf32, #tpu.memory_space<any>> -> memref<4096x128xf32, #tpu.memory_space<any>>
    %dma_wait3A_124 = arith.constant 0 : i32
    %dma_wait3A_125 = arith.constant 0 : i32
    %dma_wait3A_126 = tpu.memref_slice %arg8[%dma_wait3A_124, %dma_wait3A_125] : memref<4096x128xf32, #tpu.memory_space<vmem>> -> memref<4096x128xf32, #tpu.memory_space<vmem>>
    tpu.wait_dma2 semaphore(%arg16 : memref<!tpu.dma_semaphore, #tpu.memory_space<semaphore_mem>>) src(%dma_wait3A_126 : memref<4096x128xf32, #tpu.memory_space<vmem>>) dst(%dma_wait3A_123 : memref<4096x128xf32, #tpu.memory_space<any>>)
    %dma_start3A_127 = arith.constant 0 : i32
    %dma_start3A_128 = arith.constant 0 : i32
    %dma_start3A_129 = tpu.memref_slice %arg8[%dma_start3A_127, %dma_start3A_128] : memref<4096x128xf32, #tpu.memory_space<vmem>> -> memref<4096x128xf32, #tpu.memory_space<vmem>>
    %dma_start3A_130 = arith.constant 28672 : i32
    %dma_start3A_131 = arith.constant 0 : i32
    %dma_start3A_132 = tpu.memref_slice %arg1[%dma_start3A_130, %dma_start3A_131] : memref<65536x128xf32, #tpu.memory_space<any>> -> memref<4096x128xf32, #tpu.memory_space<any>>
    tpu.enqueue_dma source(%dma_start3A_132 : memref<4096x128xf32, #tpu.memory_space<any>>) target(%dma_start3A_129 : memref<4096x128xf32, #tpu.memory_space<vmem>>) target_semaphore(%arg12 : memref<!tpu.dma_semaphore, #tpu.memory_space<semaphore_mem>>)
    %dma_wait3A_133 = arith.constant 0 : i32
    %dma_wait3A_134 = arith.constant 0 : i32
    %dma_wait3A_135 = tpu.memref_slice %arg6[%dma_wait3A_133, %dma_wait3A_134] : memref<4096x128xf32, #tpu.memory_space<vmem>> -> memref<4096x128xf32, #tpu.memory_space<vmem>>
    %dma_wait3A_136 = arith.constant 20480 : i32
    %dma_wait3A_137 = arith.constant 0 : i32
    %dma_wait3A_138 = tpu.memref_slice %arg1[%dma_wait3A_136, %dma_wait3A_137] : memref<65536x128xf32, #tpu.memory_space<any>> -> memref<4096x128xf32, #tpu.memory_space<any>>
    tpu.wait_dma2 semaphore(%arg10 : memref<!tpu.dma_semaphore, #tpu.memory_space<semaphore_mem>>) src(%dma_wait3A_138 : memref<4096x128xf32, #tpu.memory_space<any>>) dst(%dma_wait3A_135 : memref<4096x128xf32, #tpu.memory_space<vmem>>)
    %dma_start3A_139 = arith.constant 21504 : i32
    %dma_start3A_140 = arith.constant 0 : i32
    %dma_start3A_141 = tpu.memref_slice %arg2[%dma_start3A_139, %dma_start3A_140] : memref<65536x128xf32, #tpu.memory_space<any>> -> memref<4096x128xf32, #tpu.memory_space<any>>
    %dma_start3A_142 = arith.constant 0 : i32
    %dma_start3A_143 = arith.constant 0 : i32
    %dma_start3A_144 = tpu.memref_slice %arg6[%dma_start3A_142, %dma_start3A_143] : memref<4096x128xf32, #tpu.memory_space<vmem>> -> memref<4096x128xf32, #tpu.memory_space<vmem>>
    tpu.enqueue_dma source(%dma_start3A_144 : memref<4096x128xf32, #tpu.memory_space<vmem>>) target(%dma_start3A_141 : memref<4096x128xf32, #tpu.memory_space<any>>) target_semaphore(%arg14 : memref<!tpu.dma_semaphore, #tpu.memory_space<semaphore_mem>>)
    %dma_wait3A_145 = arith.constant 17408 : i32
    %dma_wait3A_146 = arith.constant 0 : i32
    %dma_wait3A_147 = tpu.memref_slice %arg2[%dma_wait3A_145, %dma_wait3A_146] : memref<65536x128xf32, #tpu.memory_space<any>> -> memref<4096x128xf32, #tpu.memory_space<any>>
    %dma_wait3A_148 = arith.constant 0 : i32
    %dma_wait3A_149 = arith.constant 0 : i32
    %dma_wait3A_150 = tpu.memref_slice %arg5[%dma_wait3A_148, %dma_wait3A_149] : memref<4096x128xf32, #tpu.memory_space<vmem>> -> memref<4096x128xf32, #tpu.memory_space<vmem>>
    tpu.wait_dma2 semaphore(%arg13 : memref<!tpu.dma_semaphore, #tpu.memory_space<semaphore_mem>>) src(%dma_wait3A_150 : memref<4096x128xf32, #tpu.memory_space<vmem>>) dst(%dma_wait3A_147 : memref<4096x128xf32, #tpu.memory_space<any>>)
    %dma_start3A_151 = arith.constant 0 : i32
    %dma_start3A_152 = arith.constant 0 : i32
    %dma_start3A_153 = tpu.memref_slice %arg5[%dma_start3A_151, %dma_start3A_152] : memref<4096x128xf32, #tpu.memory_space<vmem>> -> memref<4096x128xf32, #tpu.memory_space<vmem>>
    %dma_start3A_154 = arith.constant 32768 : i32
    %dma_start3A_155 = arith.constant 0 : i32
    %dma_start3A_156 = tpu.memref_slice %arg1[%dma_start3A_154, %dma_start3A_155] : memref<65536x128xf32, #tpu.memory_space<any>> -> memref<4096x128xf32, #tpu.memory_space<any>>
    tpu.enqueue_dma source(%dma_start3A_156 : memref<4096x128xf32, #tpu.memory_space<any>>) target(%dma_start3A_153 : memref<4096x128xf32, #tpu.memory_space<vmem>>) target_semaphore(%arg9 : memref<!tpu.dma_semaphore, #tpu.memory_space<semaphore_mem>>)
    %dma_wait3A_157 = arith.constant 0 : i32
    %dma_wait3A_158 = arith.constant 0 : i32
    %dma_wait3A_159 = tpu.memref_slice %arg7[%dma_wait3A_157, %dma_wait3A_158] : memref<4096x128xf32, #tpu.memory_space<vmem>> -> memref<4096x128xf32, #tpu.memory_space<vmem>>
    %dma_wait3A_160 = arith.constant 24576 : i32
    %dma_wait3A_161 = arith.constant 0 : i32
    %dma_wait3A_162 = tpu.memref_slice %arg1[%dma_wait3A_160, %dma_wait3A_161] : memref<65536x128xf32, #tpu.memory_space<any>> -> memref<4096x128xf32, #tpu.memory_space<any>>
    tpu.wait_dma2 semaphore(%arg11 : memref<!tpu.dma_semaphore, #tpu.memory_space<semaphore_mem>>) src(%dma_wait3A_162 : memref<4096x128xf32, #tpu.memory_space<any>>) dst(%dma_wait3A_159 : memref<4096x128xf32, #tpu.memory_space<vmem>>)
    %dma_start3A_163 = arith.constant 25600 : i32
    %dma_start3A_164 = arith.constant 0 : i32
    %dma_start3A_165 = tpu.memref_slice %arg2[%dma_start3A_163, %dma_start3A_164] : memref<65536x128xf32, #tpu.memory_space<any>> -> memref<4096x128xf32, #tpu.memory_space<any>>
    %dma_start3A_166 = arith.constant 0 : i32
    %dma_start3A_167 = arith.constant 0 : i32
    %dma_start3A_168 = tpu.memref_slice %arg7[%dma_start3A_166, %dma_start3A_167] : memref<4096x128xf32, #tpu.memory_space<vmem>> -> memref<4096x128xf32, #tpu.memory_space<vmem>>
    tpu.enqueue_dma source(%dma_start3A_168 : memref<4096x128xf32, #tpu.memory_space<vmem>>) target(%dma_start3A_165 : memref<4096x128xf32, #tpu.memory_space<any>>) target_semaphore(%arg15 : memref<!tpu.dma_semaphore, #tpu.memory_space<semaphore_mem>>)
    %dma_wait3A_169 = arith.constant 21504 : i32
    %dma_wait3A_170 = arith.constant 0 : i32
    %dma_wait3A_171 = tpu.memref_slice %arg2[%dma_wait3A_169, %dma_wait3A_170] : memref<65536x128xf32, #tpu.memory_space<any>> -> memref<4096x128xf32, #tpu.memory_space<any>>
    %dma_wait3A_172 = arith.constant 0 : i32
    %dma_wait3A_173 = arith.constant 0 : i32
    %dma_wait3A_174 = tpu.memref_slice %arg6[%dma_wait3A_172, %dma_wait3A_173] : memref<4096x128xf32, #tpu.memory_space<vmem>> -> memref<4096x128xf32, #tpu.memory_space<vmem>>
    tpu.wait_dma2 semaphore(%arg14 : memref<!tpu.dma_semaphore, #tpu.memory_space<semaphore_mem>>) src(%dma_wait3A_174 : memref<4096x128xf32, #tpu.memory_space<vmem>>) dst(%dma_wait3A_171 : memref<4096x128xf32, #tpu.memory_space<any>>)
    %dma_start3A_175 = arith.constant 0 : i32
    %dma_start3A_176 = arith.constant 0 : i32
    %dma_start3A_177 = tpu.memref_slice %arg6[%dma_start3A_175, %dma_start3A_176] : memref<4096x128xf32, #tpu.memory_space<vmem>> -> memref<4096x128xf32, #tpu.memory_space<vmem>>
    %dma_start3A_178 = arith.constant 36864 : i32
    %dma_start3A_179 = arith.constant 0 : i32
    %dma_start3A_180 = tpu.memref_slice %arg1[%dma_start3A_178, %dma_start3A_179] : memref<65536x128xf32, #tpu.memory_space<any>> -> memref<4096x128xf32, #tpu.memory_space<any>>
    tpu.enqueue_dma source(%dma_start3A_180 : memref<4096x128xf32, #tpu.memory_space<any>>) target(%dma_start3A_177 : memref<4096x128xf32, #tpu.memory_space<vmem>>) target_semaphore(%arg10 : memref<!tpu.dma_semaphore, #tpu.memory_space<semaphore_mem>>)
    %dma_wait3A_181 = arith.constant 0 : i32
    %dma_wait3A_182 = arith.constant 0 : i32
    %dma_wait3A_183 = tpu.memref_slice %arg8[%dma_wait3A_181, %dma_wait3A_182] : memref<4096x128xf32, #tpu.memory_space<vmem>> -> memref<4096x128xf32, #tpu.memory_space<vmem>>
    %dma_wait3A_184 = arith.constant 28672 : i32
    %dma_wait3A_185 = arith.constant 0 : i32
    %dma_wait3A_186 = tpu.memref_slice %arg1[%dma_wait3A_184, %dma_wait3A_185] : memref<65536x128xf32, #tpu.memory_space<any>> -> memref<4096x128xf32, #tpu.memory_space<any>>
    tpu.wait_dma2 semaphore(%arg12 : memref<!tpu.dma_semaphore, #tpu.memory_space<semaphore_mem>>) src(%dma_wait3A_186 : memref<4096x128xf32, #tpu.memory_space<any>>) dst(%dma_wait3A_183 : memref<4096x128xf32, #tpu.memory_space<vmem>>)
    %dma_start3A_187 = arith.constant 29696 : i32
    %dma_start3A_188 = arith.constant 0 : i32
    %dma_start3A_189 = tpu.memref_slice %arg2[%dma_start3A_187, %dma_start3A_188] : memref<65536x128xf32, #tpu.memory_space<any>> -> memref<4096x128xf32, #tpu.memory_space<any>>
    %dma_start3A_190 = arith.constant 0 : i32
    %dma_start3A_191 = arith.constant 0 : i32
    %dma_start3A_192 = tpu.memref_slice %arg8[%dma_start3A_190, %dma_start3A_191] : memref<4096x128xf32, #tpu.memory_space<vmem>> -> memref<4096x128xf32, #tpu.memory_space<vmem>>
    tpu.enqueue_dma source(%dma_start3A_192 : memref<4096x128xf32, #tpu.memory_space<vmem>>) target(%dma_start3A_189 : memref<4096x128xf32, #tpu.memory_space<any>>) target_semaphore(%arg16 : memref<!tpu.dma_semaphore, #tpu.memory_space<semaphore_mem>>)
    %dma_wait3A_193 = arith.constant 25600 : i32
    %dma_wait3A_194 = arith.constant 0 : i32
    %dma_wait3A_195 = tpu.memref_slice %arg2[%dma_wait3A_193, %dma_wait3A_194] : memref<65536x128xf32, #tpu.memory_space<any>> -> memref<4096x128xf32, #tpu.memory_space<any>>
    %dma_wait3A_196 = arith.constant 0 : i32
    %dma_wait3A_197 = arith.constant 0 : i32
    %dma_wait3A_198 = tpu.memref_slice %arg7[%dma_wait3A_196, %dma_wait3A_197] : memref<4096x128xf32, #tpu.memory_space<vmem>> -> memref<4096x128xf32, #tpu.memory_space<vmem>>
    tpu.wait_dma2 semaphore(%arg15 : memref<!tpu.dma_semaphore, #tpu.memory_space<semaphore_mem>>) src(%dma_wait3A_198 : memref<4096x128xf32, #tpu.memory_space<vmem>>) dst(%dma_wait3A_195 : memref<4096x128xf32, #tpu.memory_space<any>>)
    %dma_start3A_199 = arith.constant 0 : i32
    %dma_start3A_200 = arith.constant 0 : i32
    %dma_start3A_201 = tpu.memref_slice %arg7[%dma_start3A_199, %dma_start3A_200] : memref<4096x128xf32, #tpu.memory_space<vmem>> -> memref<4096x128xf32, #tpu.memory_space<vmem>>
    %dma_start3A_202 = arith.constant 40960 : i32
    %dma_start3A_203 = arith.constant 0 : i32
    %dma_start3A_204 = tpu.memref_slice %arg1[%dma_start3A_202, %dma_start3A_203] : memref<65536x128xf32, #tpu.memory_space<any>> -> memref<4096x128xf32, #tpu.memory_space<any>>
    tpu.enqueue_dma source(%dma_start3A_204 : memref<4096x128xf32, #tpu.memory_space<any>>) target(%dma_start3A_201 : memref<4096x128xf32, #tpu.memory_space<vmem>>) target_semaphore(%arg11 : memref<!tpu.dma_semaphore, #tpu.memory_space<semaphore_mem>>)
    %dma_wait3A_205 = arith.constant 0 : i32
    %dma_wait3A_206 = arith.constant 0 : i32
    %dma_wait3A_207 = tpu.memref_slice %arg5[%dma_wait3A_205, %dma_wait3A_206] : memref<4096x128xf32, #tpu.memory_space<vmem>> -> memref<4096x128xf32, #tpu.memory_space<vmem>>
    %dma_wait3A_208 = arith.constant 32768 : i32
    %dma_wait3A_209 = arith.constant 0 : i32
    %dma_wait3A_210 = tpu.memref_slice %arg1[%dma_wait3A_208, %dma_wait3A_209] : memref<65536x128xf32, #tpu.memory_space<any>> -> memref<4096x128xf32, #tpu.memory_space<any>>
    tpu.wait_dma2 semaphore(%arg9 : memref<!tpu.dma_semaphore, #tpu.memory_space<semaphore_mem>>) src(%dma_wait3A_210 : memref<4096x128xf32, #tpu.memory_space<any>>) dst(%dma_wait3A_207 : memref<4096x128xf32, #tpu.memory_space<vmem>>)
    %dma_start3A_211 = arith.constant 33792 : i32
    %dma_start3A_212 = arith.constant 0 : i32
    %dma_start3A_213 = tpu.memref_slice %arg2[%dma_start3A_211, %dma_start3A_212] : memref<65536x128xf32, #tpu.memory_space<any>> -> memref<4096x128xf32, #tpu.memory_space<any>>
    %dma_start3A_214 = arith.constant 0 : i32
    %dma_start3A_215 = arith.constant 0 : i32
    %dma_start3A_216 = tpu.memref_slice %arg5[%dma_start3A_214, %dma_start3A_215] : memref<4096x128xf32, #tpu.memory_space<vmem>> -> memref<4096x128xf32, #tpu.memory_space<vmem>>
    tpu.enqueue_dma source(%dma_start3A_216 : memref<4096x128xf32, #tpu.memory_space<vmem>>) target(%dma_start3A_213 : memref<4096x128xf32, #tpu.memory_space<any>>) target_semaphore(%arg13 : memref<!tpu.dma_semaphore, #tpu.memory_space<semaphore_mem>>)
    %dma_wait3A_217 = arith.constant 29696 : i32
    %dma_wait3A_218 = arith.constant 0 : i32
    %dma_wait3A_219 = tpu.memref_slice %arg2[%dma_wait3A_217, %dma_wait3A_218] : memref<65536x128xf32, #tpu.memory_space<any>> -> memref<4096x128xf32, #tpu.memory_space<any>>
    %dma_wait3A_220 = arith.constant 0 : i32
    %dma_wait3A_221 = arith.constant 0 : i32
    %dma_wait3A_222 = tpu.memref_slice %arg8[%dma_wait3A_220, %dma_wait3A_221] : memref<4096x128xf32, #tpu.memory_space<vmem>> -> memref<4096x128xf32, #tpu.memory_space<vmem>>
    tpu.wait_dma2 semaphore(%arg16 : memref<!tpu.dma_semaphore, #tpu.memory_space<semaphore_mem>>) src(%dma_wait3A_222 : memref<4096x128xf32, #tpu.memory_space<vmem>>) dst(%dma_wait3A_219 : memref<4096x128xf32, #tpu.memory_space<any>>)
    %dma_start3A_223 = arith.constant 0 : i32
    %dma_start3A_224 = arith.constant 0 : i32
    %dma_start3A_225 = tpu.memref_slice %arg8[%dma_start3A_223, %dma_start3A_224] : memref<4096x128xf32, #tpu.memory_space<vmem>> -> memref<4096x128xf32, #tpu.memory_space<vmem>>
    %dma_start3A_226 = arith.constant 45056 : i32
    %dma_start3A_227 = arith.constant 0 : i32
    %dma_start3A_228 = tpu.memref_slice %arg1[%dma_start3A_226, %dma_start3A_227] : memref<65536x128xf32, #tpu.memory_space<any>> -> memref<4096x128xf32, #tpu.memory_space<any>>
    tpu.enqueue_dma source(%dma_start3A_228 : memref<4096x128xf32, #tpu.memory_space<any>>) target(%dma_start3A_225 : memref<4096x128xf32, #tpu.memory_space<vmem>>) target_semaphore(%arg12 : memref<!tpu.dma_semaphore, #tpu.memory_space<semaphore_mem>>)
    %dma_wait3A_229 = arith.constant 0 : i32
    %dma_wait3A_230 = arith.constant 0 : i32
    %dma_wait3A_231 = tpu.memref_slice %arg6[%dma_wait3A_229, %dma_wait3A_230] : memref<4096x128xf32, #tpu.memory_space<vmem>> -> memref<4096x128xf32, #tpu.memory_space<vmem>>
    %dma_wait3A_232 = arith.constant 36864 : i32
    %dma_wait3A_233 = arith.constant 0 : i32
    %dma_wait3A_234 = tpu.memref_slice %arg1[%dma_wait3A_232, %dma_wait3A_233] : memref<65536x128xf32, #tpu.memory_space<any>> -> memref<4096x128xf32, #tpu.memory_space<any>>
    tpu.wait_dma2 semaphore(%arg10 : memref<!tpu.dma_semaphore, #tpu.memory_space<semaphore_mem>>) src(%dma_wait3A_234 : memref<4096x128xf32, #tpu.memory_space<any>>) dst(%dma_wait3A_231 : memref<4096x128xf32, #tpu.memory_space<vmem>>)
    %dma_start3A_235 = arith.constant 37888 : i32
    %dma_start3A_236 = arith.constant 0 : i32
    %dma_start3A_237 = tpu.memref_slice %arg2[%dma_start3A_235, %dma_start3A_236] : memref<65536x128xf32, #tpu.memory_space<any>> -> memref<4096x128xf32, #tpu.memory_space<any>>
    %dma_start3A_238 = arith.constant 0 : i32
    %dma_start3A_239 = arith.constant 0 : i32
    %dma_start3A_240 = tpu.memref_slice %arg6[%dma_start3A_238, %dma_start3A_239] : memref<4096x128xf32, #tpu.memory_space<vmem>> -> memref<4096x128xf32, #tpu.memory_space<vmem>>
    tpu.enqueue_dma source(%dma_start3A_240 : memref<4096x128xf32, #tpu.memory_space<vmem>>) target(%dma_start3A_237 : memref<4096x128xf32, #tpu.memory_space<any>>) target_semaphore(%arg14 : memref<!tpu.dma_semaphore, #tpu.memory_space<semaphore_mem>>)
    %dma_wait3A_241 = arith.constant 33792 : i32
    %dma_wait3A_242 = arith.constant 0 : i32
    %dma_wait3A_243 = tpu.memref_slice %arg2[%dma_wait3A_241, %dma_wait3A_242] : memref<65536x128xf32, #tpu.memory_space<any>> -> memref<4096x128xf32, #tpu.memory_space<any>>
    %dma_wait3A_244 = arith.constant 0 : i32
    %dma_wait3A_245 = arith.constant 0 : i32
    %dma_wait3A_246 = tpu.memref_slice %arg5[%dma_wait3A_244, %dma_wait3A_245] : memref<4096x128xf32, #tpu.memory_space<vmem>> -> memref<4096x128xf32, #tpu.memory_space<vmem>>
    tpu.wait_dma2 semaphore(%arg13 : memref<!tpu.dma_semaphore, #tpu.memory_space<semaphore_mem>>) src(%dma_wait3A_246 : memref<4096x128xf32, #tpu.memory_space<vmem>>) dst(%dma_wait3A_243 : memref<4096x128xf32, #tpu.memory_space<any>>)
    %dma_start3A_247 = arith.constant 0 : i32
    %dma_start3A_248 = arith.constant 0 : i32
    %dma_start3A_249 = tpu.memref_slice %arg5[%dma_start3A_247, %dma_start3A_248] : memref<4096x128xf32, #tpu.memory_space<vmem>> -> memref<4096x128xf32, #tpu.memory_space<vmem>>
    %dma_start3A_250 = arith.constant 49152 : i32
    %dma_start3A_251 = arith.constant 0 : i32
    %dma_start3A_252 = tpu.memref_slice %arg1[%dma_start3A_250, %dma_start3A_251] : memref<65536x128xf32, #tpu.memory_space<any>> -> memref<4096x128xf32, #tpu.memory_space<any>>
    tpu.enqueue_dma source(%dma_start3A_252 : memref<4096x128xf32, #tpu.memory_space<any>>) target(%dma_start3A_249 : memref<4096x128xf32, #tpu.memory_space<vmem>>) target_semaphore(%arg9 : memref<!tpu.dma_semaphore, #tpu.memory_space<semaphore_mem>>)
    %dma_wait3A_253 = arith.constant 0 : i32
    %dma_wait3A_254 = arith.constant 0 : i32
    %dma_wait3A_255 = tpu.memref_slice %arg7[%dma_wait3A_253, %dma_wait3A_254] : memref<4096x128xf32, #tpu.memory_space<vmem>> -> memref<4096x128xf32, #tpu.memory_space<vmem>>
    %dma_wait3A_256 = arith.constant 40960 : i32
    %dma_wait3A_257 = arith.constant 0 : i32
    %dma_wait3A_258 = tpu.memref_slice %arg1[%dma_wait3A_256, %dma_wait3A_257] : memref<65536x128xf32, #tpu.memory_space<any>> -> memref<4096x128xf32, #tpu.memory_space<any>>
    tpu.wait_dma2 semaphore(%arg11 : memref<!tpu.dma_semaphore, #tpu.memory_space<semaphore_mem>>) src(%dma_wait3A_258 : memref<4096x128xf32, #tpu.memory_space<any>>) dst(%dma_wait3A_255 : memref<4096x128xf32, #tpu.memory_space<vmem>>)
    %dma_start3A_259 = arith.constant 41984 : i32
    %dma_start3A_260 = arith.constant 0 : i32
    %dma_start3A_261 = tpu.memref_slice %arg2[%dma_start3A_259, %dma_start3A_260] : memref<65536x128xf32, #tpu.memory_space<any>> -> memref<4096x128xf32, #tpu.memory_space<any>>
    %dma_start3A_262 = arith.constant 0 : i32
    %dma_start3A_263 = arith.constant 0 : i32
    %dma_start3A_264 = tpu.memref_slice %arg7[%dma_start3A_262, %dma_start3A_263] : memref<4096x128xf32, #tpu.memory_space<vmem>> -> memref<4096x128xf32, #tpu.memory_space<vmem>>
    tpu.enqueue_dma source(%dma_start3A_264 : memref<4096x128xf32, #tpu.memory_space<vmem>>) target(%dma_start3A_261 : memref<4096x128xf32, #tpu.memory_space<any>>) target_semaphore(%arg15 : memref<!tpu.dma_semaphore, #tpu.memory_space<semaphore_mem>>)
    %dma_wait3A_265 = arith.constant 37888 : i32
    %dma_wait3A_266 = arith.constant 0 : i32
    %dma_wait3A_267 = tpu.memref_slice %arg2[%dma_wait3A_265, %dma_wait3A_266] : memref<65536x128xf32, #tpu.memory_space<any>> -> memref<4096x128xf32, #tpu.memory_space<any>>
    %dma_wait3A_268 = arith.constant 0 : i32
    %dma_wait3A_269 = arith.constant 0 : i32
    %dma_wait3A_270 = tpu.memref_slice %arg6[%dma_wait3A_268, %dma_wait3A_269] : memref<4096x128xf32, #tpu.memory_space<vmem>> -> memref<4096x128xf32, #tpu.memory_space<vmem>>
    tpu.wait_dma2 semaphore(%arg14 : memref<!tpu.dma_semaphore, #tpu.memory_space<semaphore_mem>>) src(%dma_wait3A_270 : memref<4096x128xf32, #tpu.memory_space<vmem>>) dst(%dma_wait3A_267 : memref<4096x128xf32, #tpu.memory_space<any>>)
    %dma_start3A_271 = arith.constant 0 : i32
    %dma_start3A_272 = arith.constant 0 : i32
    %dma_start3A_273 = tpu.memref_slice %arg6[%dma_start3A_271, %dma_start3A_272] : memref<4096x128xf32, #tpu.memory_space<vmem>> -> memref<4096x128xf32, #tpu.memory_space<vmem>>
    %dma_start3A_274 = arith.constant 53248 : i32
    %dma_start3A_275 = arith.constant 0 : i32
    %dma_start3A_276 = tpu.memref_slice %arg1[%dma_start3A_274, %dma_start3A_275] : memref<65536x128xf32, #tpu.memory_space<any>> -> memref<4096x128xf32, #tpu.memory_space<any>>
    tpu.enqueue_dma source(%dma_start3A_276 : memref<4096x128xf32, #tpu.memory_space<any>>) target(%dma_start3A_273 : memref<4096x128xf32, #tpu.memory_space<vmem>>) target_semaphore(%arg10 : memref<!tpu.dma_semaphore, #tpu.memory_space<semaphore_mem>>)
    %dma_wait3A_277 = arith.constant 0 : i32
    %dma_wait3A_278 = arith.constant 0 : i32
    %dma_wait3A_279 = tpu.memref_slice %arg8[%dma_wait3A_277, %dma_wait3A_278] : memref<4096x128xf32, #tpu.memory_space<vmem>> -> memref<4096x128xf32, #tpu.memory_space<vmem>>
    %dma_wait3A_280 = arith.constant 45056 : i32
    %dma_wait3A_281 = arith.constant 0 : i32
    %dma_wait3A_282 = tpu.memref_slice %arg1[%dma_wait3A_280, %dma_wait3A_281] : memref<65536x128xf32, #tpu.memory_space<any>> -> memref<4096x128xf32, #tpu.memory_space<any>>
    tpu.wait_dma2 semaphore(%arg12 : memref<!tpu.dma_semaphore, #tpu.memory_space<semaphore_mem>>) src(%dma_wait3A_282 : memref<4096x128xf32, #tpu.memory_space<any>>) dst(%dma_wait3A_279 : memref<4096x128xf32, #tpu.memory_space<vmem>>)
    %dma_start3A_283 = arith.constant 46080 : i32
    %dma_start3A_284 = arith.constant 0 : i32
    %dma_start3A_285 = tpu.memref_slice %arg2[%dma_start3A_283, %dma_start3A_284] : memref<65536x128xf32, #tpu.memory_space<any>> -> memref<4096x128xf32, #tpu.memory_space<any>>
    %dma_start3A_286 = arith.constant 0 : i32
    %dma_start3A_287 = arith.constant 0 : i32
    %dma_start3A_288 = tpu.memref_slice %arg8[%dma_start3A_286, %dma_start3A_287] : memref<4096x128xf32, #tpu.memory_space<vmem>> -> memref<4096x128xf32, #tpu.memory_space<vmem>>
    tpu.enqueue_dma source(%dma_start3A_288 : memref<4096x128xf32, #tpu.memory_space<vmem>>) target(%dma_start3A_285 : memref<4096x128xf32, #tpu.memory_space<any>>) target_semaphore(%arg16 : memref<!tpu.dma_semaphore, #tpu.memory_space<semaphore_mem>>)
    %dma_wait3A_289 = arith.constant 41984 : i32
    %dma_wait3A_290 = arith.constant 0 : i32
    %dma_wait3A_291 = tpu.memref_slice %arg2[%dma_wait3A_289, %dma_wait3A_290] : memref<65536x128xf32, #tpu.memory_space<any>> -> memref<4096x128xf32, #tpu.memory_space<any>>
    %dma_wait3A_292 = arith.constant 0 : i32
    %dma_wait3A_293 = arith.constant 0 : i32
    %dma_wait3A_294 = tpu.memref_slice %arg7[%dma_wait3A_292, %dma_wait3A_293] : memref<4096x128xf32, #tpu.memory_space<vmem>> -> memref<4096x128xf32, #tpu.memory_space<vmem>>
    tpu.wait_dma2 semaphore(%arg15 : memref<!tpu.dma_semaphore, #tpu.memory_space<semaphore_mem>>) src(%dma_wait3A_294 : memref<4096x128xf32, #tpu.memory_space<vmem>>) dst(%dma_wait3A_291 : memref<4096x128xf32, #tpu.memory_space<any>>)
    %dma_start3A_295 = arith.constant 0 : i32
    %dma_start3A_296 = arith.constant 0 : i32
    %dma_start3A_297 = tpu.memref_slice %arg7[%dma_start3A_295, %dma_start3A_296] : memref<4096x128xf32, #tpu.memory_space<vmem>> -> memref<4096x128xf32, #tpu.memory_space<vmem>>
    %dma_start3A_298 = arith.constant 57344 : i32
    %dma_start3A_299 = arith.constant 0 : i32
    %dma_start3A_300 = tpu.memref_slice %arg1[%dma_start3A_298, %dma_start3A_299] : memref<65536x128xf32, #tpu.memory_space<any>> -> memref<4096x128xf32, #tpu.memory_space<any>>
    tpu.enqueue_dma source(%dma_start3A_300 : memref<4096x128xf32, #tpu.memory_space<any>>) target(%dma_start3A_297 : memref<4096x128xf32, #tpu.memory_space<vmem>>) target_semaphore(%arg11 : memref<!tpu.dma_semaphore, #tpu.memory_space<semaphore_mem>>)
    %dma_wait3A_301 = arith.constant 0 : i32
    %dma_wait3A_302 = arith.constant 0 : i32
    %dma_wait3A_303 = tpu.memref_slice %arg5[%dma_wait3A_301, %dma_wait3A_302] : memref<4096x128xf32, #tpu.memory_space<vmem>> -> memref<4096x128xf32, #tpu.memory_space<vmem>>
    %dma_wait3A_304 = arith.constant 49152 : i32
    %dma_wait3A_305 = arith.constant 0 : i32
    %dma_wait3A_306 = tpu.memref_slice %arg1[%dma_wait3A_304, %dma_wait3A_305] : memref<65536x128xf32, #tpu.memory_space<any>> -> memref<4096x128xf32, #tpu.memory_space<any>>
    tpu.wait_dma2 semaphore(%arg9 : memref<!tpu.dma_semaphore, #tpu.memory_space<semaphore_mem>>) src(%dma_wait3A_306 : memref<4096x128xf32, #tpu.memory_space<any>>) dst(%dma_wait3A_303 : memref<4096x128xf32, #tpu.memory_space<vmem>>)
    %dma_start3A_307 = arith.constant 50176 : i32
    %dma_start3A_308 = arith.constant 0 : i32
    %dma_start3A_309 = tpu.memref_slice %arg2[%dma_start3A_307, %dma_start3A_308] : memref<65536x128xf32, #tpu.memory_space<any>> -> memref<4096x128xf32, #tpu.memory_space<any>>
    %dma_start3A_310 = arith.constant 0 : i32
    %dma_start3A_311 = arith.constant 0 : i32
    %dma_start3A_312 = tpu.memref_slice %arg5[%dma_start3A_310, %dma_start3A_311] : memref<4096x128xf32, #tpu.memory_space<vmem>> -> memref<4096x128xf32, #tpu.memory_space<vmem>>
    tpu.enqueue_dma source(%dma_start3A_312 : memref<4096x128xf32, #tpu.memory_space<vmem>>) target(%dma_start3A_309 : memref<4096x128xf32, #tpu.memory_space<any>>) target_semaphore(%arg13 : memref<!tpu.dma_semaphore, #tpu.memory_space<semaphore_mem>>)
    %dma_wait3A_313 = arith.constant 46080 : i32
    %dma_wait3A_314 = arith.constant 0 : i32
    %dma_wait3A_315 = tpu.memref_slice %arg2[%dma_wait3A_313, %dma_wait3A_314] : memref<65536x128xf32, #tpu.memory_space<any>> -> memref<4096x128xf32, #tpu.memory_space<any>>
    %dma_wait3A_316 = arith.constant 0 : i32
    %dma_wait3A_317 = arith.constant 0 : i32
    %dma_wait3A_318 = tpu.memref_slice %arg8[%dma_wait3A_316, %dma_wait3A_317] : memref<4096x128xf32, #tpu.memory_space<vmem>> -> memref<4096x128xf32, #tpu.memory_space<vmem>>
    tpu.wait_dma2 semaphore(%arg16 : memref<!tpu.dma_semaphore, #tpu.memory_space<semaphore_mem>>) src(%dma_wait3A_318 : memref<4096x128xf32, #tpu.memory_space<vmem>>) dst(%dma_wait3A_315 : memref<4096x128xf32, #tpu.memory_space<any>>)
    %dma_start3A_319 = arith.constant 0 : i32
    %dma_start3A_320 = arith.constant 0 : i32
    %dma_start3A_321 = tpu.memref_slice %arg8[%dma_start3A_319, %dma_start3A_320] : memref<4096x128xf32, #tpu.memory_space<vmem>> -> memref<3072x128xf32, #tpu.memory_space<vmem>>
    %dma_start3A_322 = arith.constant 61440 : i32
    %dma_start3A_323 = arith.constant 0 : i32
    %dma_start3A_324 = tpu.memref_slice %arg1[%dma_start3A_322, %dma_start3A_323] : memref<65536x128xf32, #tpu.memory_space<any>> -> memref<3072x128xf32, #tpu.memory_space<any>>
    tpu.enqueue_dma source(%dma_start3A_324 : memref<3072x128xf32, #tpu.memory_space<any>>) target(%dma_start3A_321 : memref<3072x128xf32, #tpu.memory_space<vmem>>) target_semaphore(%arg12 : memref<!tpu.dma_semaphore, #tpu.memory_space<semaphore_mem>>)
    %dma_wait3A_325 = arith.constant 0 : i32
    %dma_wait3A_326 = arith.constant 0 : i32
    %dma_wait3A_327 = tpu.memref_slice %arg6[%dma_wait3A_325, %dma_wait3A_326] : memref<4096x128xf32, #tpu.memory_space<vmem>> -> memref<4096x128xf32, #tpu.memory_space<vmem>>
    %dma_wait3A_328 = arith.constant 53248 : i32
    %dma_wait3A_329 = arith.constant 0 : i32
    %dma_wait3A_330 = tpu.memref_slice %arg1[%dma_wait3A_328, %dma_wait3A_329] : memref<65536x128xf32, #tpu.memory_space<any>> -> memref<4096x128xf32, #tpu.memory_space<any>>
    tpu.wait_dma2 semaphore(%arg10 : memref<!tpu.dma_semaphore, #tpu.memory_space<semaphore_mem>>) src(%dma_wait3A_330 : memref<4096x128xf32, #tpu.memory_space<any>>) dst(%dma_wait3A_327 : memref<4096x128xf32, #tpu.memory_space<vmem>>)
    %dma_start3A_331 = arith.constant 54272 : i32
    %dma_start3A_332 = arith.constant 0 : i32
    %dma_start3A_333 = tpu.memref_slice %arg2[%dma_start3A_331, %dma_start3A_332] : memref<65536x128xf32, #tpu.memory_space<any>> -> memref<4096x128xf32, #tpu.memory_space<any>>
    %dma_start3A_334 = arith.constant 0 : i32
    %dma_start3A_335 = arith.constant 0 : i32
    %dma_start3A_336 = tpu.memref_slice %arg6[%dma_start3A_334, %dma_start3A_335] : memref<4096x128xf32, #tpu.memory_space<vmem>> -> memref<4096x128xf32, #tpu.memory_space<vmem>>
    tpu.enqueue_dma source(%dma_start3A_336 : memref<4096x128xf32, #tpu.memory_space<vmem>>) target(%dma_start3A_333 : memref<4096x128xf32, #tpu.memory_space<any>>) target_semaphore(%arg14 : memref<!tpu.dma_semaphore, #tpu.memory_space<semaphore_mem>>)
    %dma_wait3A_337 = arith.constant 0 : i32
    %dma_wait3A_338 = arith.constant 0 : i32
    %dma_wait3A_339 = tpu.memref_slice %arg7[%dma_wait3A_337, %dma_wait3A_338] : memref<4096x128xf32, #tpu.memory_space<vmem>> -> memref<4096x128xf32, #tpu.memory_space<vmem>>
    %dma_wait3A_340 = arith.constant 57344 : i32
    %dma_wait3A_341 = arith.constant 0 : i32
    %dma_wait3A_342 = tpu.memref_slice %arg1[%dma_wait3A_340, %dma_wait3A_341] : memref<65536x128xf32, #tpu.memory_space<any>> -> memref<4096x128xf32, #tpu.memory_space<any>>
    tpu.wait_dma2 semaphore(%arg11 : memref<!tpu.dma_semaphore, #tpu.memory_space<semaphore_mem>>) src(%dma_wait3A_342 : memref<4096x128xf32, #tpu.memory_space<any>>) dst(%dma_wait3A_339 : memref<4096x128xf32, #tpu.memory_space<vmem>>)
    %dma_start3A_343 = arith.constant 58368 : i32
    %dma_start3A_344 = arith.constant 0 : i32
    %dma_start3A_345 = tpu.memref_slice %arg2[%dma_start3A_343, %dma_start3A_344] : memref<65536x128xf32, #tpu.memory_space<any>> -> memref<4096x128xf32, #tpu.memory_space<any>>
    %dma_start3A_346 = arith.constant 0 : i32
    %dma_start3A_347 = arith.constant 0 : i32
    %dma_start3A_348 = tpu.memref_slice %arg7[%dma_start3A_346, %dma_start3A_347] : memref<4096x128xf32, #tpu.memory_space<vmem>> -> memref<4096x128xf32, #tpu.memory_space<vmem>>
    tpu.enqueue_dma source(%dma_start3A_348 : memref<4096x128xf32, #tpu.memory_space<vmem>>) target(%dma_start3A_345 : memref<4096x128xf32, #tpu.memory_space<any>>) target_semaphore(%arg15 : memref<!tpu.dma_semaphore, #tpu.memory_space<semaphore_mem>>)
    %dma_wait3A_349 = arith.constant 0 : i32
    %dma_wait3A_350 = arith.constant 0 : i32
    %dma_wait3A_351 = tpu.memref_slice %arg8[%dma_wait3A_349, %dma_wait3A_350] : memref<4096x128xf32, #tpu.memory_space<vmem>> -> memref<3072x128xf32, #tpu.memory_space<vmem>>
    %dma_wait3A_352 = arith.constant 61440 : i32
    %dma_wait3A_353 = arith.constant 0 : i32
    %dma_wait3A_354 = tpu.memref_slice %arg1[%dma_wait3A_352, %dma_wait3A_353] : memref<65536x128xf32, #tpu.memory_space<any>> -> memref<3072x128xf32, #tpu.memory_space<any>>
    tpu.wait_dma2 semaphore(%arg12 : memref<!tpu.dma_semaphore, #tpu.memory_space<semaphore_mem>>) src(%dma_wait3A_354 : memref<3072x128xf32, #tpu.memory_space<any>>) dst(%dma_wait3A_351 : memref<3072x128xf32, #tpu.memory_space<vmem>>)
    %dma_start3A_355 = arith.constant 62464 : i32
    %dma_start3A_356 = arith.constant 0 : i32
    %dma_start3A_357 = tpu.memref_slice %arg2[%dma_start3A_355, %dma_start3A_356] : memref<65536x128xf32, #tpu.memory_space<any>> -> memref<3072x128xf32, #tpu.memory_space<any>>
    %dma_start3A_358 = arith.constant 0 : i32
    %dma_start3A_359 = arith.constant 0 : i32
    %dma_start3A_360 = tpu.memref_slice %arg8[%dma_start3A_358, %dma_start3A_359] : memref<4096x128xf32, #tpu.memory_space<vmem>> -> memref<3072x128xf32, #tpu.memory_space<vmem>>
    tpu.enqueue_dma source(%dma_start3A_360 : memref<3072x128xf32, #tpu.memory_space<vmem>>) target(%dma_start3A_357 : memref<3072x128xf32, #tpu.memory_space<any>>) target_semaphore(%arg16 : memref<!tpu.dma_semaphore, #tpu.memory_space<semaphore_mem>>)
    %dma_wait3A_361 = arith.constant 0 : i32
    %dma_wait3A_362 = arith.constant 0 : i32
    %dma_wait3A_363 = tpu.memref_slice %arg2[%dma_wait3A_361, %dma_wait3A_362] : memref<65536x128xf32, #tpu.memory_space<any>> -> memref<1024x128xf32, #tpu.memory_space<any>>
    tpu.wait_dma2 semaphore(%arg4 : memref<!tpu.dma_semaphore, #tpu.memory_space<semaphore_mem>>) src(%arg3 : memref<1024x128xf32, #tpu.memory_space<vmem>>) dst(%dma_wait3A_363 : memref<1024x128xf32, #tpu.memory_space<any>>)
    %dma_wait3A_364 = arith.constant 50176 : i32
    %dma_wait3A_365 = arith.constant 0 : i32
    %dma_wait3A_366 = tpu.memref_slice %arg2[%dma_wait3A_364, %dma_wait3A_365] : memref<65536x128xf32, #tpu.memory_space<any>> -> memref<4096x128xf32, #tpu.memory_space<any>>
    %dma_wait3A_367 = arith.constant 0 : i32
    %dma_wait3A_368 = arith.constant 0 : i32
    %dma_wait3A_369 = tpu.memref_slice %arg5[%dma_wait3A_367, %dma_wait3A_368] : memref<4096x128xf32, #tpu.memory_space<vmem>> -> memref<4096x128xf32, #tpu.memory_space<vmem>>
    tpu.wait_dma2 semaphore(%arg13 : memref<!tpu.dma_semaphore, #tpu.memory_space<semaphore_mem>>) src(%dma_wait3A_369 : memref<4096x128xf32, #tpu.memory_space<vmem>>) dst(%dma_wait3A_366 : memref<4096x128xf32, #tpu.memory_space<any>>)
    %dma_wait3A_370 = arith.constant 54272 : i32
    %dma_wait3A_371 = arith.constant 0 : i32
    %dma_wait3A_372 = tpu.memref_slice %arg2[%dma_wait3A_370, %dma_wait3A_371] : memref<65536x128xf32, #tpu.memory_space<any>> -> memref<4096x128xf32, #tpu.memory_space<any>>
    %dma_wait3A_373 = arith.constant 0 : i32
    %dma_wait3A_374 = arith.constant 0 : i32
    %dma_wait3A_375 = tpu.memref_slice %arg6[%dma_wait3A_373, %dma_wait3A_374] : memref<4096x128xf32, #tpu.memory_space<vmem>> -> memref<4096x128xf32, #tpu.memory_space<vmem>>
    tpu.wait_dma2 semaphore(%arg14 : memref<!tpu.dma_semaphore, #tpu.memory_space<semaphore_mem>>) src(%dma_wait3A_375 : memref<4096x128xf32, #tpu.memory_space<vmem>>) dst(%dma_wait3A_372 : memref<4096x128xf32, #tpu.memory_space<any>>)
    %dma_wait3A_376 = arith.constant 58368 : i32
    %dma_wait3A_377 = arith.constant 0 : i32
    %dma_wait3A_378 = tpu.memref_slice %arg2[%dma_wait3A_376, %dma_wait3A_377] : memref<65536x128xf32, #tpu.memory_space<any>> -> memref<4096x128xf32, #tpu.memory_space<any>>
    %dma_wait3A_379 = arith.constant 0 : i32
    %dma_wait3A_380 = arith.constant 0 : i32
    %dma_wait3A_381 = tpu.memref_slice %arg7[%dma_wait3A_379, %dma_wait3A_380] : memref<4096x128xf32, #tpu.memory_space<vmem>> -> memref<4096x128xf32, #tpu.memory_space<vmem>>
    tpu.wait_dma2 semaphore(%arg15 : memref<!tpu.dma_semaphore, #tpu.memory_space<semaphore_mem>>) src(%dma_wait3A_381 : memref<4096x128xf32, #tpu.memory_space<vmem>>) dst(%dma_wait3A_378 : memref<4096x128xf32, #tpu.memory_space<any>>)
    %dma_wait3A_382 = arith.constant 62464 : i32
    %dma_wait3A_383 = arith.constant 0 : i32
    %dma_wait3A_384 = tpu.memref_slice %arg2[%dma_wait3A_382, %dma_wait3A_383] : memref<65536x128xf32, #tpu.memory_space<any>> -> memref<3072x128xf32, #tpu.memory_space<any>>
    %dma_wait3A_385 = arith.constant 0 : i32
    %dma_wait3A_386 = arith.constant 0 : i32
    %dma_wait3A_387 = tpu.memref_slice %arg8[%dma_wait3A_385, %dma_wait3A_386] : memref<4096x128xf32, #tpu.memory_space<vmem>> -> memref<3072x128xf32, #tpu.memory_space<vmem>>
    tpu.wait_dma2 semaphore(%arg16 : memref<!tpu.dma_semaphore, #tpu.memory_space<semaphore_mem>>) src(%dma_wait3A_387 : memref<3072x128xf32, #tpu.memory_space<vmem>>) dst(%dma_wait3A_384 : memref<3072x128xf32, #tpu.memory_space<any>>)
    return
  }
}

</mosaic_0001>

<sc_bundles>
// kernel: kernel.4.cloned.1.call-start
scs
__scs_entry_jumppad:
0x0: {  	(pc) =	sbr.rel $0x88, $3  }
0x1: {  	(tag) =	ssettag $0x0;
	lr =	simm.s32 $0x1  }
0x2: {  	[smem:$0x3F9F] =	sst lr;
	_ =	strace $0xD0000000  }
0x3: {  	_ = 	snop  }
0x4: {  	_ = 	snop  }
0x5: {  	_ = 	snop  }
0x6: {  	_ = 	snop  }
0x7: {  	_ = 	snop  }
__scs_overlays_trampoline_lowered:
0x8: {  	[smem:$0x3FAE] =	sst s0  }
0x9: {  	[smem:$0x3FAF] =	sst s1  }
0xa: {  	[smem:$0x3FB0] =	sst s2  }
0xb: {  	[smem:$0x3FB1] =	sst s3  }
0xc: {  	[smem:$0x3FB2] =	sst s4  }
0xd: {  	[smem:$0x3FB3] =	sst s5  }
0xe: {  	[smem:$0x3FB4] =	sst s6  }
0xf: {  	[smem:$0x3FB5] =	sst s7  }
0x10: {  	[smem:$0x3FB6] =	sst s8  }
0x11: {  	[smem:$0x3FB7] =	sst s9;
	s0 =	simm.s32 @!p0 $0x0  }
0x12: {  	s1 =	sld [smem:$0x3F9D];
	s0 =	simm.s32 @p0 $0x1  }
0x13: {  	[smem:$0x3FB8] =	sst s0;
	s0 =	simm.s32 @!p1 $0x0  }
0x14: {  	s2 =	sld [smem:$0x3F9C];
	s0 =	simm.s32 @p1 $0x1  }
0x15: {  	[smem:$0x3FB9] =	sst s0;
	s0 =	simm.s32 @!p2 $0x0  }
0x16: {  	s3 =	sld [smem:$0x3FDB];
	s0 =	simm.s32 @p2 $0x1  }
0x17: {  	s4 =	simm.s32 $0x1BF5;
	[smem:$0x3FBB] =	sst s0  }
0x18: {  	s0 =	sld [smem:$0x3F9E];
	_ =	swait.ge [sflag:s4], $0x0  }
0x19: {  	s7 =	sld [smem:$0x3F9F]  }
0x1a: {  	s8 =	sadd.s32 $0xFFFFE003, lr  }
0x1b: {  	s9 =	sadd.s32 $0xFFFFFEF7, lr;
	s5 =	simm.s32 $0xFFFFFFFF;
	p2 =	slt.u32 s8, $0xFFFFF086  }
0x1c: {  	p1 =	slt.u32 s9, $0xF7A;
	s5 =	simm.s32 @!p2 $0x0  }
0x1d: {  	s5 =	simm.s32 @p1 $0x1;
	p0 =	seq.s32 s7, s2  }
0x1e: {  	s7 =	smul.u32 @!p0 $0xF7A, s2;
	p2 =	seq.s32 @!p0 s5, $0x0  }
0x1f: {  	s9 =	smul.u32 $0xF7A, s1;
	s8 =	simm.s32 @!p0 $0x1BF5;
	p2 =	por !p2, p0  }
0x20: {  	[sflag:s8] =	ssyncset.s32 @!p0 $0xFFFFF086;
	s6 =	sadd.s32 @!p0 s3, s7;
	s7 =	simm.s32 @!p0 $0x108  }
0x21: {  	s3 =	sadd.s32 s3, s9;
	s6 =	sadd.s32 @!p0 $0x88, s6;
	s7 =	simm.s32 @p2 $0x1082  }
0x22: {  	[simem:s7], [sflag:s8] =	dma.local @!p0 [hbm:s6], $0xF7A  }
0x23: {  	s9 =	sor.u32 $0xD0000000, s2;
	s6 =	simm.s32 $0x108;
	_ =	swait.ge @!p0 [sflag:s8], $0x0  }
0x24: {  	s3 =	sadd.s32 $0x88, s3;
	s6 =	simm.s32 @!p1 $0x1082;
	[sflag:s4] =	ssyncset.s32 $0xFFFFF086  }
0x25: {  	[simem:s6], [sflag:s4] =	dma.local [hbm:s3], $0xF7A  }
0x26: {  	[smem:$0x3F9F] =	sst s1;
	(tag) =	ssettag s2;
	_ =	strace s9  }
0x27: {  	s1 =	sld [smem:$0x3FAF]  }
0x28: {  	s2 =	sld [smem:$0x3FB0]  }
0x29: {  	s4 =	sld [smem:$0x3FB2]  }
0x2a: {  	p0 =	seq.s32 s5, $0x0;
	s5 =	sld [smem:$0x3FB3]  }
0x2b: {  	s6 =	sld [smem:$0x3FB4]  }
0x2c: {  	s7 =	sld [smem:$0x3FB5]  }
0x2d: {  	s3 =	simm.s32 $0x108;
	s8 =	sld [smem:$0x3FB6]  }
0x2e: {  	s3 =	simm.s32 @!p0 $0x1082;
	s9 =	sld [smem:$0x3FB7]  }
0x2f: {  	lr =	sadd.s32 s0, s3;
	s0 =	sld [smem:$0x3FAE]  }
0x30: {  	s3 =	sld [smem:$0x3FB1]  }
0x31: {  	[smem:$0x3FBA] =	sst s10  }
0x32: {  	s10 =	sld [smem:$0x3FB8];
	_ =	sdelay $0x3  }
0x33: {  	p0 =	seq.s32 s10, $0x1;
	s10 =	sld [smem:$0x3FBA];
	_ =	sdelay $0x3  }
0x34: {  	[smem:$0x3FBA] =	sst s10  }
0x35: {  	s10 =	sld [smem:$0x3FB9];
	_ =	sdelay $0x3  }
0x36: {  	p1 =	seq.s32 s10, $0x1;
	s10 =	sld [smem:$0x3FBA];
	_ =	sdelay $0x3  }
0x37: {  	[smem:$0x3FBA] =	sst s10  }
0x38: {  	s10 =	sld [smem:$0x3FBB]  }
0x39: {  	_ = 	snop;
	(pc) =	sbr.ind lr, $3  }
0x3a: {  	_ = 	snop  }
0x3b: {  	_ = 	snop  }
0x3c: {  	p2 =	seq.s32 s10, $0x1;
	s10 =	sld [smem:$0x3FBA]  }
0x3d: {  	_ =	shalt  }
0x3e: {  	_ =	shalt  }
0x3f: {  	_ =	shalt  }
0x40: {  	_ =	shalt  }
0x41: {  	_ =	shalt  }
0x42: {  	_ =	shalt  }
0x43: {  	_ =	shalt  }
0x44: {  	_ =	shalt  }
0x45: {  	_ =	shalt  }
0x46: {  	_ =	shalt  }
0x47: {  	_ =	shalt  }
0x48: {  	_ =	shalt  }
0x49: {  	_ =	shalt  }
0x4a: {  	_ =	shalt  }
0x4b: {  	_ =	shalt  }
0x4c: {  	_ =	shalt  }
0x4d: {  	_ =	shalt  }
0x4e: {  	_ =	shalt  }
0x4f: {  	_ =	shalt  }
0x50: {  	_ =	shalt  }
0x51: {  	_ =	shalt  }
0x52: {  	_ =	shalt  }
0x53: {  	_ =	shalt  }
0x54: {  	_ =	shalt  }
0x55: {  	_ =	shalt  }
0x56: {  	_ =	shalt  }
0x57: {  	_ =	shalt  }
0x58: {  	_ =	shalt  }
0x59: {  	_ =	shalt  }
0x5a: {  	_ =	shalt  }
0x5b: {  	_ =	shalt  }
0x5c: {  	_ =	shalt  }
0x5d: {  	_ =	shalt  }
0x5e: {  	_ =	shalt  }
0x5f: {  	_ =	shalt  }
0x60: {  	_ =	shalt  }
0x61: {  	_ =	shalt  }
0x62: {  	_ =	shalt  }
0x63: {  	_ =	shalt  }
0x64: {  	_ =	shalt  }
0x65: {  	_ =	shalt  }
0x66: {  	_ =	shalt  }
0x67: {  	_ =	shalt  }
0x68: {  	_ =	shalt  }
0x69: {  	_ =	shalt  }
0x6a: {  	_ =	shalt  }
0x6b: {  	_ =	shalt  }
0x6c: {  	_ =	shalt  }
0x6d: {  	_ =	shalt  }
0x6e: {  	_ =	shalt  }
0x6f: {  	_ =	shalt  }
0x70: {  	_ =	shalt  }
0x71: {  	_ =	shalt  }
0x72: {  	_ =	shalt  }
0x73: {  	_ =	shalt  }
0x74: {  	_ =	shalt  }
0x75: {  	_ =	shalt  }
0x76: {  	_ =	shalt  }
0x77: {  	_ =	shalt  }
0x78: {  	_ =	shalt  }
0x79: {  	_ =	shalt  }
0x7a: {  	_ =	shalt  }
0x7b: {  	_ =	shalt  }
0x7c: {  	_ =	shalt  }
0x7d: {  	_ =	shalt  }
0x7e: {  	_ =	shalt  }
0x7f: {  	_ =	shalt  }
0x80: {  	_ =	shalt  }
0x81: {  	_ =	shalt  }
0x82: {  	_ =	shalt  }
0x83: {  	_ =	shalt  }
0x84: {  	_ =	shalt  }
0x85: {  	_ =	shalt  }
0x86: {  	_ =	shalt  }
0x87: {  	_ =	shalt  }
.Lfunc_end0:
.L_simem_size_0:
called_computation_lowered:
.L_overlay_start_0:
0x88: {  	s2 =	sld [smem:$0x3FD9]  }
0x89: {  	s3 =	sld [smem:$0x3FFE];
	_ =	sdelay $0x1  }
0x8a: {  	s1 =	srdreg.scid  }
0x8b: {  	s0 =	sand.u32 $0x1, s1  }
0x8c: {  	s15 =	sshll.u32 s0, $0xA;
	s2 =	sadd.s32 s3, s2  }
0x8d: {  	s2 =	sadd.s32 s2, s15  }
0x8e: {  	[smem:$0x3FC6] =	sst s2  }
0x8f: {  	_ = 	snop  }
0x90: {  	s2 =	sld [smem:$0x3FD0];
	_ =	sdelay $0x2  }
0x91: {  	s4 =	simm.s32 $0xA;
	s5 =	simm.s32 $0x10;
	s16 =	sld [smem:$0x3FC8]  }
0x92: {  	[smem:s5], [sflag:s4] =	dma.local [hbm:s2], $0x1  }
0x93: {  	_ =	swait.eq [sflag:s4], $0x1  }
0x94: {  	[sflag:s4] =	ssyncset.done $0x0  }
0x95: {  	[sflag:s4] =	ssyncadd.s32 $0xFFFFFFFF  }
0x96: {  	s17 =	sld [smem:$0x10];
	(tm) =	ssettm $0x1  }
0x97: {  	s18 =	sld [smem:$0x3FFB];
	_ =	sdelay $0x3  }
0x98: {  	_ =	strace s18  }
0x99: {  	s4 =	sld [smem:$0x3FFC];
	_ =	sdelay $0x3  }
0x9a: {  	_ =	strace s4  }
0x9b: {  	s4 =	sld [smem:$0x3FFD];
	_ =	sdelay $0x3  }
0x9c: {  	_ =	strace s4  }
0x9d: {  	_ =	strace $0x8FFFFFFF  }
0x9e: {  	s19 =	sld [smem:$0x3FDB];
	_ =	sdelay $0x1  }
0x9f: {  	s20 =	simm.s32 $_scs_section_size  }
0xa0: {  	s6 =	simm.s32 $_size__tile_overlayer_lowered;
	s7 =	simm.s32 $_tile_overlayer_lowered  }
0xa1: {  	s23 =	simm.s32 $0x1BFF;
	s22 =	sshll.u32 s7, $0x1;
	s4 =	sadd.s32 s20, s19  }
0xa2: {  	s8 =	simm.s32 $0x0;
	s21 =	sshll.u32 s6, $0x1;
	s6 =	sadd.s32 s22, s4  }
0xa3: {  	[timem:s8], [sflag:s23] =	dma.local [hbm:s6], s21  }
0xa4: {  	_ =	swait.ge [sflag:s23], s21  }
0xa5: {  	s5 =	ssub.s32 $0x0, s21;
	[sflag:s23] =	ssyncset.done $0x0  }
0xa6: {  	[sflag:s23] =	ssyncadd.s32 s5;
	_ =	sdelay $0x1  }
0xa7: {  	s24 =	simm.s32 $0x1B8B  }
0xa8: {  	_ =	swait.ge [sflag:s24], $0x1  }
0xa9: {  	[sflag:s24] =	ssyncset.done $0x0  }
0xaa: {  	s25 =	simm.s32 $0x1B8E;
	[sflag:s24] =	ssyncadd.s32 $0xFFFFFFFF  }
0xab: {  	s26 =	simm.s32 $execute0_lowered;
	[smem:$0x3FD2] =	sst s25  }
0xac: {  	s5 =	sshll.u32 s26, $0x1;
	_ =	strace $0x80000046;
	[dreg:$0x1] =	wrdreg $0xFFFFFFFF  }
0xad: {  	s28 =	simm.s32 $_size_execute0_lowered;
	s4 =	sadd.s32 s4, s5;
	[dreg:$0x0] =	wrdreg $0x0  }
0xae: {  	s5 =	sshll.u32 s28, $0x1;
	[dreg:$0x2] =	wrdreg s4  }
0xaf: {  	[dreg:$0x3] =	wrdreg s5  }
0xb0: {  	[dreg:$0x4] =	wrdreg $0xC0  }
0xb1: {  	_ =	task [dreg:s8], $0x5FFFF  }
0xb2: {  	[dreg:$0x1] =	wrdreg $0xFFFFFFFF  }
0xb3: {  	[dreg:$0x0] =	wrdreg $0x60  }
0xb4: {  	[dreg:$0x2] =	wrdreg s16  }
0xb5: {  	[dreg:$0x3] =	wrdreg s17  }
0xb6: {  	[dreg:$0x4] =	wrdreg $0x9  }
0xb7: {  	_ =	task.clear_ibuf [dreg:s8], $0x5FFFF;
	_ =	strace $0x90000046  }
0xb8: {  	s29 =	simm.s32 $0x9;
	_ =	strace $0x80000048  }
0xb9: {  	_ =	swait.ge [sflag:s29], $0x1  }
0xba: {  	[sflag:s29] =	ssyncadd.s32 $0xFFFFFFFF  }
0xbb: {  	_ =	strace $0x90000048  }
0xbc: {  	_ =	sfence  }
0xbd: {  	s30 =	sld [smem:$0x0];
	_ =	sdelay $0x2  }
0xbe: {  	s31 =	sshll.u32 s1, $0xD;
	s1 =	sshrl.u32 s1, $0x2  }
0xbf: {  	s3 =	sand.u32 $0x4000, s31;
	s1 =	sadd.s32 s1, s30  }
0xc0: {  	s0 =	sor.u32 s3, s0;
	s1 =	sshll.u32 s1, $0x11  }
0xc1: {  	s0 =	sor.u32 s1, s0  }
0xc2: {  	s0 =	sadd.s32 $0x8F2B, s0  }
0xc3: {  	[sflag:s0] =	ssyncadd.remote.s32 $0x1  }
0xc4: {  	_ =	sfence.sel $0xFFFF  }
0xc5: {  	[dreg:$0x0] =	wrdreg $0xFFFFFFFF;
	(pc) =	sbr.abs _section_cstart, $3  }
0xc6: {  	[dreg:$0x1] =	wrdreg $0xFFFFFFFF  }
0xc7: {  	_ =	task.clear_ibuf [dreg:s8], $0x2FFFF;
	_ =	strace $0x9FFFFFFF  }
0xc8: {  	(tm) =	ssettm $0x7FFFFFFF  }
0xc9: {  	_ =	shalt  }
tec
execute0_lowered:
.L_overlay_start_1:
0x0: {  	(tag) =	ssettag $0x1  }
0x1: {  	s19 =	rddreg [dreg:$0x0]  }
0x2: {  	s21 =	rddreg [dreg:$0x1];
	s2 =	srdreg.scid  }
0x3: {  	s0 =	rddreg [dreg:$0x2];
	s1 =	stileid.u32;
	s22 =	sand.u32 $0x1, s2  }
0x4: {  	s2 =	simm.s32 $0x0;
	s3 =	sshll.u32 s1, $0x10;
	s4 =	sshll.u32 s22, $0xF  }
0x5: {  	[smem:$0x7FF] =	sst s2;
	s20 =	sor.u32 s4, s3  }
0x6: {  	_ =	strace $0x80000047;
	s4 =	simm.s32 $0x1;
	s3 =	sadd.s32 s19, s20  }
0x7: {  	[tilespmem:s2], [sflag:$0x1] =	stream.linear.gather [hbm4b:s3+s2], $0x8000, $0x38;
	[tilespmem:$0x10000] =	vst v63  }
0x8: {  	_ =	swait.ge [sflag:s4], $0x8000  }
0x9: {  	s10 =	sor.u32 $0x1000, s20;
	[sflag:s4] =	ssyncset.done $0x0  }
0xa: {  	s6 =	simm.s32 $0x8000;
	s5 =	sadd.s32 s19, s10;
	[sflag:s4] =	ssyncadd.s32 $0xFFFF8000  }
0xb: {  	[tilespmem:s6], [sflag:$0x1] =	stream.linear.gather [hbm4b:s5+s2], $0x8000, $0x38;
	[tilespmem:$0x10000] =	vst v63  }
0xc: {  	s7 =	simm.s32 $0x2;
	s8 =	sadd.s32 s21, s20  }
0xd: {  	[hbm4b:s8+s2] =	stream.linear.scatter [tilespmem:s2], [sflag:$0x2], $0x8000, $0x38;
	[tilespmem:$0x10000] =	vst v63  }
0xe: {  	_ =	swait.ge [sflag:s7], $0x8000  }
0xf: {  	[sflag:s7] =	ssyncset.done $0x0  }
0x10: {  	[sflag:s7] =	ssyncadd.s32 $0xFFFF8000  }
0x11: {  	_ =	swait.ge [sflag:s4], $0x8000  }
0x12: {  	s12 =	sor.u32 $0x2000, s20;
	[sflag:s4] =	ssyncset.done $0x0  }
0x13: {  	s9 =	sadd.s32 s19, s12;
	[sflag:s4] =	ssyncadd.s32 $0xFFFF8000  }
0x14: {  	[tilespmem:s2], [sflag:$0x1] =	stream.linear.gather [hbm4b:s9+s2], $0x8000, $0x38;
	[tilespmem:$0x10000] =	vst v63  }
0x15: {  	s10 =	sadd.s32 s21, s10  }
0x16: {  	[hbm4b:s10+s2] =	stream.linear.scatter [tilespmem:s6], [sflag:$0x2], $0x8000, $0x38;
	[tilespmem:$0x10000] =	vst v63  }
0x17: {  	_ =	swait.ge [sflag:s7], $0x8000  }
0x18: {  	[sflag:s7] =	ssyncset.done $0x0  }
0x19: {  	[sflag:s7] =	ssyncadd.s32 $0xFFFF8000  }
0x1a: {  	_ =	swait.ge [sflag:s4], $0x8000  }
0x1b: {  	s14 =	sor.u32 $0x3000, s20;
	[sflag:s4] =	ssyncset.done $0x0  }
0x1c: {  	s11 =	sadd.s32 s19, s14;
	[sflag:s4] =	ssyncadd.s32 $0xFFFF8000  }
0x1d: {  	[tilespmem:s6], [sflag:$0x1] =	stream.linear.gather [hbm4b:s11+s2], $0x8000, $0x38;
	[tilespmem:$0x10000] =	vst v63  }
0x1e: {  	s12 =	sadd.s32 s21, s12  }
0x1f: {  	[hbm4b:s12+s2] =	stream.linear.scatter [tilespmem:s2], [sflag:$0x2], $0x8000, $0x38;
	[tilespmem:$0x10000] =	vst v63  }
0x20: {  	_ =	swait.ge [sflag:s7], $0x8000  }
0x21: {  	[sflag:s7] =	ssyncset.done $0x0  }
0x22: {  	[sflag:s7] =	ssyncadd.s32 $0xFFFF8000  }
0x23: {  	_ =	swait.ge [sflag:s4], $0x8000  }
0x24: {  	s16 =	sor.u32 $0x4000, s20;
	[sflag:s4] =	ssyncset.done $0x0  }
0x25: {  	s13 =	sadd.s32 s19, s16;
	[sflag:s4] =	ssyncadd.s32 $0xFFFF8000  }
0x26: {  	[tilespmem:s2], [sflag:$0x1] =	stream.linear.gather [hbm4b:s13+s2], $0x8000, $0x38;
	[tilespmem:$0x10000] =	vst v63  }
0x27: {  	s14 =	sadd.s32 s21, s14  }
0x28: {  	[hbm4b:s14+s2] =	stream.linear.scatter [tilespmem:s6], [sflag:$0x2], $0x8000, $0x38;
	[tilespmem:$0x10000] =	vst v63  }
0x29: {  	_ =	swait.ge [sflag:s7], $0x8000  }
0x2a: {  	[sflag:s7] =	ssyncset.done $0x0  }
0x2b: {  	[sflag:s7] =	ssyncadd.s32 $0xFFFF8000  }
0x2c: {  	_ =	swait.ge [sflag:s4], $0x8000  }
0x2d: {  	s18 =	sor.u32 $0x5000, s20;
	[sflag:s4] =	ssyncset.done $0x0  }
0x2e: {  	s15 =	sadd.s32 s19, s18;
	[sflag:s4] =	ssyncadd.s32 $0xFFFF8000  }
0x2f: {  	[tilespmem:s6], [sflag:$0x1] =	stream.linear.gather [hbm4b:s15+s2], $0x8000, $0x38;
	[tilespmem:$0x10000] =	vst v63  }
0x30: {  	s16 =	sadd.s32 s21, s16  }
0x31: {  	[hbm4b:s16+s2] =	stream.linear.scatter [tilespmem:s2], [sflag:$0x2], $0x8000, $0x38;
	[tilespmem:$0x10000] =	vst v63  }
0x32: {  	_ =	swait.ge [sflag:s7], $0x8000  }
0x33: {  	[sflag:s7] =	ssyncset.done $0x0  }
0x34: {  	[sflag:s7] =	ssyncadd.s32 $0xFFFF8000  }
0x35: {  	_ =	swait.ge [sflag:s4], $0x8000  }
0x36: {  	s23 =	sor.u32 $0x6000, s20;
	[sflag:s4] =	ssyncset.done $0x0  }
0x37: {  	s17 =	sadd.s32 s19, s23;
	[sflag:s4] =	ssyncadd.s32 $0xFFFF8000  }
0x38: {  	[tilespmem:s2], [sflag:$0x1] =	stream.linear.gather [hbm4b:s17+s2], $0x8000, $0x38;
	[tilespmem:$0x10000] =	vst v63  }
0x39: {  	s18 =	sadd.s32 s21, s18  }
0x3a: {  	[hbm4b:s18+s2] =	stream.linear.scatter [tilespmem:s6], [sflag:$0x2], $0x8000, $0x38;
	[tilespmem:$0x10000] =	vst v63  }
0x3b: {  	_ =	swait.ge [sflag:s7], $0x8000  }
0x3c: {  	[sflag:s7] =	ssyncset.done $0x0  }
0x3d: {  	[sflag:s7] =	ssyncadd.s32 $0xFFFF8000  }
0x3e: {  	_ =	swait.ge [sflag:s4], $0x8000  }
0x3f: {  	s24 =	sor.u32 $0x7000, s20;
	[sflag:s4] =	ssyncset.done $0x0  }
0x40: {  	s19 =	sadd.s32 s19, s24;
	[sflag:s4] =	ssyncadd.s32 $0xFFFF8000  }
0x41: {  	[tilespmem:s6], [sflag:$0x1] =	stream.linear.gather [hbm4b:s19+s2], $0x8000, $0x38;
	[tilespmem:$0x10000] =	vst v63  }
0x42: {  	s22 =	ssub.s32 $0x2, s22;
	s20 =	sadd.s32 s21, s23  }
0x43: {  	[hbm4b:s20+s2] =	stream.linear.scatter [tilespmem:s2], [sflag:$0x2], $0x8000, $0x38;
	[tilespmem:$0x10000] =	vst v63  }
0x44: {  	s31 =	sshrl.u32 s22, $0x1;
	_ =	swait.ge [sflag:s7], $0x8000  }
0x45: {  	s22 =	ssub.s32 s22, s31;
	[sflag:s7] =	ssyncset.done $0x0  }
0x46: {  	s22 =	smax.u32 s22, $0x1;
	[sflag:s7] =	ssyncadd.s32 $0xFFFF8000  }
0x47: {  	p0 =	sne.s32 s22, $0x1;
	_ =	swait.ge [sflag:s4], $0x8000  }
.Ltmp0:
0x48: {  	[sflag:s4] =	ssyncset.done $0x0;
	(pc) =	sbr.rel @!p0 .LBB2_2-.Ltmp0, $4  }
0x49: {  	s21 =	sadd.s32 s21, s24;
	[sflag:s4] =	ssyncadd.s32 $0xFFFF8000  }
0x4a: {  	[hbm4b:s21+s2] =	stream.linear.scatter [tilespmem:s6], [sflag:$0x2], $0x8000, $0x38;
	[tilespmem:$0x10000] =	vst v63  }
0x4b: {  	_ =	swait.ge [sflag:s7], $0x8000  }
0x4c: {  	s22 =	sadd.s32 $0xFFFFFFFF, s22;
	[sflag:s7] =	ssyncset.done $0x0  }
.LBB2_1:
0x4d: {  	p0 =	sne.s32 s22, $0x1;
	s22 =	sadd.s32 $0xFFFFFFFF, s22;
	[sflag:s7] =	ssyncadd.s32 $0xFFFF8000  }
0x4e: {  	[tilespmem:s2], [sflag:$0x1] =	stream.linear.gather [hbm4b:s3+s2], $0x8000, $0x38;
	[tilespmem:$0x10000] =	vst v63  }
0x4f: {  	_ =	swait.ge [sflag:s4], $0x8000  }
0x50: {  	[sflag:s4] =	ssyncset.done $0x0  }
0x51: {  	[sflag:s4] =	ssyncadd.s32 $0xFFFF8000  }
0x52: {  	[tilespmem:s6], [sflag:$0x1] =	stream.linear.gather [hbm4b:s5+s2], $0x8000, $0x38;
	[tilespmem:$0x10000] =	vst v63  }
0x53: {  	_ = 	snop  }
0x54: {  	[hbm4b:s8+s2] =	stream.linear.scatter [tilespmem:s2], [sflag:$0x2], $0x8000, $0x38;
	[tilespmem:$0x10000] =	vst v63  }
0x55: {  	_ =	swait.ge [sflag:s7], $0x8000  }
0x56: {  	[sflag:s7] =	ssyncset.done $0x0  }
0x57: {  	[sflag:s7] =	ssyncadd.s32 $0xFFFF8000  }
0x58: {  	_ =	swait.ge [sflag:s4], $0x8000  }
0x59: {  	[sflag:s4] =	ssyncset.done $0x0  }
0x5a: {  	[sflag:s4] =	ssyncadd.s32 $0xFFFF8000  }
0x5b: {  	[tilespmem:s2], [sflag:$0x1] =	stream.linear.gather [hbm4b:s9+s2], $0x8000, $0x38;
	[tilespmem:$0x10000] =	vst v63  }
0x5c: {  	_ = 	snop  }
0x5d: {  	[hbm4b:s10+s2] =	stream.linear.scatter [tilespmem:s6], [sflag:$0x2], $0x8000, $0x38;
	[tilespmem:$0x10000] =	vst v63  }
0x5e: {  	_ =	swait.ge [sflag:s7], $0x8000  }
0x5f: {  	[sflag:s7] =	ssyncset.done $0x0  }
0x60: {  	[sflag:s7] =	ssyncadd.s32 $0xFFFF8000  }
0x61: {  	_ =	swait.ge [sflag:s4], $0x8000  }
0x62: {  	[sflag:s4] =	ssyncset.done $0x0  }
0x63: {  	[sflag:s4] =	ssyncadd.s32 $0xFFFF8000  }
0x64: {  	[tilespmem:s6], [sflag:$0x1] =	stream.linear.gather [hbm4b:s11+s2], $0x8000, $0x38;
	[tilespmem:$0x10000] =	vst v63  }
0x65: {  	_ = 	snop  }
0x66: {  	[hbm4b:s12+s2] =	stream.linear.scatter [tilespmem:s2], [sflag:$0x2], $0x8000, $0x38;
	[tilespmem:$0x10000] =	vst v63  }
0x67: {  	_ =	swait.ge [sflag:s7], $0x8000  }
0x68: {  	[sflag:s7] =	ssyncset.done $0x0  }
0x69: {  	[sflag:s7] =	ssyncadd.s32 $0xFFFF8000  }
0x6a: {  	_ =	swait.ge [sflag:s4], $0x8000  }
0x6b: {  	[sflag:s4] =	ssyncset.done $0x0  }
0x6c: {  	[sflag:s4] =	ssyncadd.s32 $0xFFFF8000  }
0x6d: {  	[tilespmem:s2], [sflag:$0x1] =	stream.linear.gather [hbm4b:s13+s2], $0x8000, $0x38;
	[tilespmem:$0x10000] =	vst v63  }
0x6e: {  	_ = 	snop  }
0x6f: {  	[hbm4b:s14+s2] =	stream.linear.scatter [tilespmem:s6], [sflag:$0x2], $0x8000, $0x38;
	[tilespmem:$0x10000] =	vst v63  }
0x70: {  	_ =	swait.ge [sflag:s7], $0x8000  }
0x71: {  	[sflag:s7] =	ssyncset.done $0x0  }
0x72: {  	[sflag:s7] =	ssyncadd.s32 $0xFFFF8000  }
0x73: {  	_ =	swait.ge [sflag:s4], $0x8000  }
0x74: {  	[sflag:s4] =	ssyncset.done $0x0  }
0x75: {  	[sflag:s4] =	ssyncadd.s32 $0xFFFF8000  }
0x76: {  	[tilespmem:s6], [sflag:$0x1] =	stream.linear.gather [hbm4b:s15+s2], $0x8000, $0x38;
	[tilespmem:$0x10000] =	vst v63  }
0x77: {  	_ = 	snop  }
0x78: {  	[hbm4b:s16+s2] =	stream.linear.scatter [tilespmem:s2], [sflag:$0x2], $0x8000, $0x38;
	[tilespmem:$0x10000] =	vst v63  }
0x79: {  	_ =	swait.ge [sflag:s7], $0x8000  }
0x7a: {  	[sflag:s7] =	ssyncset.done $0x0  }
0x7b: {  	[sflag:s7] =	ssyncadd.s32 $0xFFFF8000  }
0x7c: {  	_ =	swait.ge [sflag:s4], $0x8000  }
0x7d: {  	[sflag:s4] =	ssyncset.done $0x0  }
0x7e: {  	[sflag:s4] =	ssyncadd.s32 $0xFFFF8000  }
0x7f: {  	[tilespmem:s2], [sflag:$0x1] =	stream.linear.gather [hbm4b:s17+s2], $0x8000, $0x38;
	[tilespmem:$0x10000] =	vst v63  }
0x80: {  	_ = 	snop  }
0x81: {  	[hbm4b:s18+s2] =	stream.linear.scatter [tilespmem:s6], [sflag:$0x2], $0x8000, $0x38;
	[tilespmem:$0x10000] =	vst v63  }
0x82: {  	_ =	swait.ge [sflag:s7], $0x8000  }
0x83: {  	[sflag:s7] =	ssyncset.done $0x0  }
0x84: {  	[sflag:s7] =	ssyncadd.s32 $0xFFFF8000  }
0x85: {  	_ =	swait.ge [sflag:s4], $0x8000  }
0x86: {  	[sflag:s4] =	ssyncset.done $0x0  }
0x87: {  	[sflag:s4] =	ssyncadd.s32 $0xFFFF8000  }
0x88: {  	[tilespmem:s6], [sflag:$0x1] =	stream.linear.gather [hbm4b:s19+s2], $0x8000, $0x38;
	[tilespmem:$0x10000] =	vst v63  }
0x89: {  	_ = 	snop  }
0x8a: {  	[hbm4b:s20+s2] =	stream.linear.scatter [tilespmem:s2], [sflag:$0x2], $0x8000, $0x38;
	[tilespmem:$0x10000] =	vst v63  }
0x8b: {  	_ =	swait.ge [sflag:s7], $0x8000  }
0x8c: {  	[sflag:s7] =	ssyncset.done $0x0  }
0x8d: {  	[sflag:s7] =	ssyncadd.s32 $0xFFFF8000  }
0x8e: {  	_ =	swait.ge [sflag:s4], $0x8000  }
.Ltmp1:
0x8f: {  	[sflag:s4] =	ssyncset.done $0x0;
	(pc) =	sbr.rel @p0 .LBB2_1-.Ltmp1, $4  }
0x90: {  	[sflag:s4] =	ssyncadd.s32 $0xFFFF8000  }
0x91: {  	[hbm4b:s21+s2] =	stream.linear.scatter [tilespmem:s6], [sflag:$0x2], $0x8000, $0x38;
	[tilespmem:$0x10000] =	vst v63  }
0x92: {  	_ =	swait.ge [sflag:s7], $0x8000  }
0x93: {  	[sflag:s7] =	ssyncset.done $0x0  }
.LBB2_2:
0x94: {  	[sflag:s7] =	ssyncadd.s32 $0xFFFF8000  }
0x95: {  	_ =	sfence.sel $0x180000  }
0x96: {  	[bflag:$0x0] =	sbarrier.arrive $0xFFFF  }
0x97: {  	p0 =	sne.s32 s1, $0x0;
	_ =	strace $0x90000047  }
0x98: {  	s0 =	sadd.s32 @!p0 $0x100000, s0;
	[bflag:$0x2] =	sbarrier.arrive $0xFFFF  }
0x99: {  	[sflag:s0] =	ssyncadd.tile.s32 @!p0 $0x1;
	_ =	shalt  }
.Lfunc_end2:
_tile_overlayer_lowered:
.L_overlay_start_2:
0x9a: {  	(tag) =	ssettag $0x2  }
0x9b: {  	s0 =	rddreg [dreg:$0x0];
	s2 =	stileid.u32  }
0x9c: {  	s1 =	rddreg [dreg:$0x1];
	p0 =	sne.s32 s2, $0x0  }
0x9d: {  	s3 =	rddreg [dreg:$0x2];
	[bflag:$0x3] =	sbarrier.arrive $0xFFFF;
	s2 =	simm.s32 @!p0 $0x1C02  }
0x9e: {  	[timem:s3], [sflag:s2] =	dma.local @!p0 [hbm:s0], s1  }
0x9f: {  	s0 =	simm.s32 @!p0 $0x2  }
0xa0: {  	_ =	swait.ge @!p0 [sflag:s0], s1  }
0xa1: {  	s1 =	ssub.s32 @!p0 $0x0, s1;
	[sflag:s0] =	ssyncset.done @!p0 $0x0  }
0xa2: {  	[sflag:s0] =	ssyncadd.s32 @!p0 s1  }
0xa3: {  	[bflag:$0x3] =	sbarrier.arrive $0xFFFF  }
0xa4: {  	_ =	shalt  }

</sc_bundles>
